<compile_context>
chip_gen: v7x
topology: tpu7x:2x2x1
jax: 0.10.2.dev20260603
libtpu: 0.0.44.dev20260713+nightly
codegen_flags: <defaults>
</compile_context>

<pallas_src>
import jax
import jax.numpy as jnp
from jax import lax
from jax.experimental import pallas as pl
from jax.experimental.pallas import tpu as pltpu
from jax.experimental.pallas import tpu_sc as plsc

N = 10000
E = 320000
D = 128
NC = 2
NS = 16
NW = NC * NS
CH = 128
NCH = 80
EPT = NCH * CH
EPAD = NW * EPT
NP = 10240
TRASH = N
RPT = NP // NS


def _spmm2_body(x_hbm, srcA_hbm, srcB_hbm, dst_hbm,
                outp_hbm, outq_hbm, outd_hbm,
                sidx0, sidx1, didx0, didx1, rows0, rows1, zrow, ones_v,
                semis0, semid0, semis1, semid1, semr0, semr1, sems0, sems1,
                acc, dacc):
    cid = lax.axis_index("c")
    sid = lax.axis_index("s")
    wid = cid * NS + sid
    rbase = sid * RPT
    obase = cid * NP + rbase

    def _zero_rows0():
        def _zr(i, _):
            for j in range(D // 16):
                rows0[i, pl.ds(j * 16, 16)] = jnp.zeros((16,), jnp.float32)
            return 0
        lax.fori_loop(0, CH, _zr, 0)

    def _clear_acc():
        for r in range(RPT // CH):
            pltpu.sync_copy(rows0, acc.at[pl.ds(rbase + r * CH, CH)])

    def _z1(k, _):
        zrow[pl.ds(k * 16, 16)] = jnp.zeros((16,), jnp.float32)
        return 0
    lax.fori_loop(0, RPT // 16, _z1, 0)
    for j in range(CH // 16):
        ones_v[pl.ds(j * 16, 16)] = jnp.ones((16,), jnp.float32)

    _zero_rows0()
    _clear_acc()
    pltpu.sync_copy(zrow, dacc.at[pl.ds(rbase, RPT)])
    plsc.subcore_barrier()

    def _phase(sidx_hbm, sbase, dbase, nch, table_hbm, count_degrees):
        slots = ((sidx0, didx0, semis0, semid0, rows0, semr0, sems0),
                 (sidx1, didx1, semis1, semid1, rows1, semr1, sems1))

        def _idx_load(c, s):
            sb, db, ss, sd = slots[s][:4]
            pltpu.async_copy(sidx_hbm.at[pl.ds((sbase + c) * CH, CH)], sb, ss)
            pltpu.async_copy(dst_hbm.at[pl.ds((dbase + c) * CH, CH)], db, sd)

        def _idx_wait(c, s):
            sb, db, ss, sd = slots[s][:4]
            pltpu.make_async_copy(
                sidx_hbm.at[pl.ds((sbase + c) * CH, CH)], sb, ss).wait()
            pltpu.make_async_copy(
                dst_hbm.at[pl.ds((dbase + c) * CH, CH)], db, sd).wait()

        def _gather(s):
            sb, rw, sr = slots[s][0], slots[s][4], slots[s][5]
            pltpu.async_copy(acc.at[sb], rw, sr)

        def _gather_wait(s):
            sb, rw, sr = slots[s][0], slots[s][4], slots[s][5]
            pltpu.make_async_copy(acc.at[sb], rw, sr).wait()

        def _scatter(s):
            db, rw = slots[s][1], slots[s][4]
            if False:
                pltpu.sync_copy(rw, acc.at[db], add=True)
            if count_degrees:
                pltpu.sync_copy(ones_v, dacc.at[db], add=True)

        _idx_load(0, 0)
        _idx_load(1, 1)
        _idx_wait(0, 0)
        _gather(0)

        def _half(c, s):
            _idx_wait(c + 1, 1 - s)
            _gather(1 - s)
            _gather_wait(s)
            _scatter(s)
            _idx_load(c + 2, s)

        def _pair(k, _):
            _half(2 * k, 0)
            _half(2 * k + 1, 1)
            return 0
        lax.fori_loop(0, nch // 2 - 1, _pair, 0)

        _idx_wait(nch - 1, 1)
        _gather(1)
        _gather_wait(0)
        _scatter(0)
        _gather_wait(1)
        _scatter(1)

    _phase(srcA_hbm, wid * NCH, wid * NCH, NCH, x_hbm, False)
    plsc.subcore_barrier()

    pltpu.sync_copy(acc.at[pl.ds(rbase, RPT)], outp_hbm.at[pl.ds(obase, RPT)])
    pltpu.sync_copy(dacc.at[pl.ds(rbase, RPT)], outd_hbm.at[pl.ds(obase, RPT)])
    _zero_rows0()
    _clear_acc()
    plsc.subcore_barrier()

    NCH2 = NW * NCH // NS
    if True:
        pass
    else:
        _phase(srcB_hbm, cid * NW * NCH + sid * NCH2, sid * NCH2, NCH2,
               outp_hbm, False)
    plsc.subcore_barrier()

    pltpu.sync_copy(acc.at[pl.ds(rbase, RPT)], outq_hbm.at[pl.ds(obase, RPT)])


_spmm2 = pl.kernel(
    _spmm2_body,
    out_type=(
        jax.ShapeDtypeStruct((NC * NP, D), jnp.float32),
        jax.ShapeDtypeStruct((NC * NP, D), jnp.float32),
        jax.ShapeDtypeStruct((NC * NP,), jnp.float32),
    ),
    mesh=plsc.VectorSubcoreMesh(core_axis_name="c", subcore_axis_name="s",
                                num_cores=NC, num_subcores=NS),
    scratch_types=[
        pltpu.VMEM((CH,), jnp.int32),
        pltpu.VMEM((CH,), jnp.int32),
        pltpu.VMEM((CH,), jnp.int32),
        pltpu.VMEM((CH,), jnp.int32),
        pltpu.VMEM((CH, D), jnp.float32),
        pltpu.VMEM((CH, D), jnp.float32),
        pltpu.VMEM((RPT,), jnp.float32),
        pltpu.VMEM((CH,), jnp.float32),
        pltpu.SemaphoreType.DMA,
        pltpu.SemaphoreType.DMA,
        pltpu.SemaphoreType.DMA,
        pltpu.SemaphoreType.DMA,
        pltpu.SemaphoreType.DMA,
        pltpu.SemaphoreType.DMA,
        pltpu.SemaphoreType.DMA,
        pltpu.SemaphoreType.DMA,
        pltpu.VMEM_SHARED((NP, D), jnp.float32),
        pltpu.VMEM_SHARED((NP,), jnp.float32),
    ],
)


_BM = 1024


def _final_body(q0_ref, q1_ref, d_ref, w1_ref, w2_ref, b1_ref, b2_ref, o_ref):
    hi = jax.lax.Precision.HIGHEST
    w12 = jnp.dot(w1_ref[...], w2_ref[...], precision=hi,
                  preferred_element_type=jnp.float32)
    bw = jnp.dot(b1_ref[...], w2_ref[...], precision=hi,
                 preferred_element_type=jnp.float32)
    z = q0_ref[...] + q1_ref[...]
    d = d_ref[0] + d_ref[1]
    o_ref[...] = (jnp.dot(z, w12, precision=hi,
                          preferred_element_type=jnp.float32)
                  + d[:, None] * bw + b2_ref[...])


def _final(q, deg, W1, W2, b1r, b2r):
    return pl.pallas_call(
        _final_body,
        grid=(NP // _BM,),
        in_specs=[pl.BlockSpec((_BM, D), lambda i: (i, 0)),
                  pl.BlockSpec((_BM, D), lambda i: (NP // _BM + i, 0)),
                  pl.BlockSpec((NC, _BM), lambda i: (0, i)),
                  pl.BlockSpec((D, D), lambda i: (0, 0)),
                  pl.BlockSpec((D, D), lambda i: (0, 0)),
                  pl.BlockSpec((1, D), lambda i: (0, 0)),
                  pl.BlockSpec((1, D), lambda i: (0, 0))],
        out_specs=pl.BlockSpec((_BM, D), lambda i: (i, 0)),
        out_shape=jax.ShapeDtypeStruct((NP, D), jnp.float32),
    )(q, q, deg, W1, W2, b1r, b2r)


def kernel(data, edge_index, W1, b1, W2, b2):
    src = edge_index[0].astype(jnp.int32)
    dst = edge_index[1].astype(jnp.int32)
    pad = EPAD - E
    src = jnp.concatenate([src, jnp.zeros((pad,), jnp.int32)])
    dst = jnp.concatenate(
        [dst, TRASH + jnp.arange(pad, dtype=jnp.int32) % (NP - N)])
    srcB = jnp.concatenate([src, src + NP])
    b1r = b1.reshape(1, D)
    b2r = b2.reshape(1, D)

    _p, q, deg = _spmm2(data, src, srcB, dst)
    out = _final(q, deg.reshape(NC, NP), W1, W2, b1r, b2r)
    return out[:N]

# --- scband reference (transcript-rebuilt; emitter-appended) ---
"""Pipeline reference for scband-gcn-28475633172838 (READ-ONLY COPY).

The authoritative reference and input builder live on the scoring server;
editing this copy changes nothing except your own understanding.
"""

import jax, jax.numpy as jnp
import numpy as np

N_NODES = 10000
N_EDGES = 320000
D = 128

def setup_inputs(seed: int = 0) -> dict:
    key = jax.random.key(seed)
    k1, k2, k3, k4 = jax.random.split(key, 4)
    data = jax.random.normal(k1, (N_NODES, D), dtype=jnp.float32)
    edge_index = jax.random.randint(k2, (2, N_EDGES), 0, N_NODES, dtype=jnp.int64)
    # Xavier-uniform init for the two GraphConvolution weights (128->128 each)
    limit = float(np.sqrt(6.0 / (D + D)))
    W1 = jax.random.uniform(k3, (D, D), dtype=jnp.float32, minval=-limit, maxval=limit)
    W2 = jax.random.uniform(k4, (D, D), dtype=jnp.float32, minval=-limit, maxval=limit)
    b1 = jnp.zeros((D,), dtype=jnp.float32)
    b2 = jnp.zeros((D,), dtype=jnp.float32)
    return {"data": data, "edge_index": edge_index, "W1": W1, "b1": b1, "W2": W2, "b2": b2}

def reference(data, edge_index, W1, b1, W2, b2):
    # GCN with 2 GraphConvolution layers. Note: the original module stores an
    # activation but never applies it in forward(); dropout is identity in eval
    # (dropout_prob=0.0). adj is an unweighted sparse [N,N] adjacency; spmm is
    # implemented as gather(src) + segment_sum over dst.
    src = edge_index[0]
    dst = edge_index[1]
    n = data.shape[0]
    # layer 1: support = X @ W; out = spmm(adj, support) + b
    support1 = data @ W1
    h1 = jax.ops.segment_sum(support1[src], dst, num_segments=n) + b1
    # layer 2
    support2 = h1 @ W2
    out = jax.ops.segment_sum(support2[src], dst, num_segments=n) + b2
    return out

if __name__ == "__main__":
    import jax
    _d = setup_inputs()
    print(jax.jit(kernel)(*tuple(_d.values())))

</pallas_src>

<mosaic_0001>
#map = affine_map<(d0, d1) -> (0, 0)>
#map1 = affine_map<(d0, d1) -> (0)>
module attributes {stable_mosaic.version = 14 : i64} {
  func.func @_spmm2_body(%arg0: i32, %arg1: i32, %arg2: memref<10000x128xf32, #tpu.memory_space<hbm>>, %arg3: memref<327680xi32, #tpu.memory_space<hbm>>, %arg4: memref<655360xi32, #tpu.memory_space<hbm>>, %arg5: memref<327680xi32, #tpu.memory_space<hbm>>, %arg6: memref<20480x128xf32, #tpu.memory_space<hbm>>, %arg7: memref<20480x128xf32, #tpu.memory_space<hbm>>, %arg8: memref<20480xf32, #tpu.memory_space<hbm>>, %arg9: memref<128xi32, #tpu.memory_space<vmem>>, %arg10: memref<128xi32, #tpu.memory_space<vmem>>, %arg11: memref<128xi32, #tpu.memory_space<vmem>>, %arg12: memref<128xi32, #tpu.memory_space<vmem>>, %arg13: memref<128x128xf32, #tpu.memory_space<vmem>>, %arg14: memref<128x128xf32, #tpu.memory_space<vmem>>, %arg15: memref<640xf32, #tpu.memory_space<vmem>>, %arg16: memref<128xf32, #tpu.memory_space<vmem>>, %arg17: memref<!tpu.dma_semaphore, #tpu.memory_space<semaphore_mem>>, %arg18: memref<!tpu.dma_semaphore, #tpu.memory_space<semaphore_mem>>, %arg19: memref<!tpu.dma_semaphore, #tpu.memory_space<semaphore_mem>>, %arg20: memref<!tpu.dma_semaphore, #tpu.memory_space<semaphore_mem>>, %arg21: memref<!tpu.dma_semaphore, #tpu.memory_space<semaphore_mem>>, %arg22: memref<!tpu.dma_semaphore, #tpu.memory_space<semaphore_mem>>, %arg23: memref<!tpu.dma_semaphore, #tpu.memory_space<semaphore_mem>>, %arg24: memref<!tpu.dma_semaphore, #tpu.memory_space<semaphore_mem>>, %arg25: memref<10240x128xf32, #tpu.memory_space<vmem_shared>>, %arg26: memref<10240xf32, #tpu.memory_space<vmem_shared>>) attributes {dimension_semantics = [#tpu.dimension_semantics<core_parallel>, #tpu.dimension_semantics<subcore_parallel>], iteration_bounds = array<i64: 2, 16>, scalar_prefetch = 0 : i64, scratch_operands = 18 : i64, tpu.core_type = #tpu.core_type<sc_vector_subcore>, window_params = [{transform_indices = #map}, {transform_indices = #map1}, {transform_indices = #map1}, {transform_indices = #map1}, {transform_indices = #map}, {transform_indices = #map}, {transform_indices = #map1}]} {
    %mul3A = arith.constant 16 : i32
    %mul3A_0 = arith.muli %arg0, %mul3A : i32
    %add3A = arith.addi %mul3A_0, %arg1 : i32
    %mul3A_1 = arith.constant 640 : i32
    %mul3A_2 = arith.muli %arg1, %mul3A_1 : i32
    %mul3A_3 = arith.constant 10240 : i32
    %mul3A_4 = arith.muli %arg0, %mul3A_3 : i32
    %add3A_5 = arith.addi %mul3A_4, %mul3A_2 : i32
    %scan3A = arith.constant 0 : i32
    %scan3A_6 = arith.constant 0 : i32
    %scan3A_7 = arith.constant 40 : i32
    %scan3A_8 = arith.addi %scan3A_6, %scan3A_7 : i32
    %scan3A_9 = arith.constant 1 : i32
    %scan3A_10 = scf.for %scan3A_164 = %scan3A_6 to %scan3A_8 step %scan3A_9 iter_args(%scan3A_165 = %scan3A) -> (i32)  : i32 {
      %broadcast_in_dim3A_166 = arith.constant 0.000000e+00 : f32
      %broadcast_in_dim3A_167 = vector.broadcast %broadcast_in_dim3A_166 : f32 to vector<16xf32>
      %mul3A_168 = arith.constant 16 : i32
      %mul3A_169 = arith.muli %scan3A_164, %mul3A_168 : i32
      %swap3A_170 = arith.index_cast %mul3A_169 : i32 to index
      %swap3A_171 = tpu.vector_load %arg15[%swap3A_170] {strides = array<i32>} : memref<640xf32, #tpu.memory_space<vmem>>, vector<16xf32>,
      %swap3A_172 = vector.shape_cast %swap3A_171 : vector<16xf32> to vector<16xf32>
      %swap3A_173 = vector.shape_cast %broadcast_in_dim3A_167 : vector<16xf32> to vector<16xf32>
      tpu.vector_store %arg15[%swap3A_170], %swap3A_173 {strides = array<i32>} : memref<640xf32, #tpu.memory_space<vmem>>, vector<16xf32>,
      %scan3A_174 = arith.constant 0 : i32
      scf.yield %scan3A_174 : i32
    }
    %scan3A_11 = arith.constant 40 : i32
    %broadcast_in_dim3A = arith.constant 1.000000e+00 : f32
    %broadcast_in_dim3A_12 = vector.broadcast %broadcast_in_dim3A : f32 to vector<16xf32>
    %swap3A = arith.constant 0 : index
    %swap3A_13 = tpu.vector_load %arg16[%swap3A] {strides = array<i32>} : memref<128xf32, #tpu.memory_space<vmem>>, vector<16xf32>,
    %swap3A_14 = vector.shape_cast %swap3A_13 : vector<16xf32> to vector<16xf32>
    %swap3A_15 = vector.shape_cast %broadcast_in_dim3A_12 : vector<16xf32> to vector<16xf32>
    tpu.vector_store %arg16[%swap3A], %swap3A_15 {strides = array<i32>} : memref<128xf32, #tpu.memory_space<vmem>>, vector<16xf32>,
    %broadcast_in_dim3A_16 = arith.constant 1.000000e+00 : f32
    %broadcast_in_dim3A_17 = vector.broadcast %broadcast_in_dim3A_16 : f32 to vector<16xf32>
    %swap3A_18 = arith.constant 16 : index
    %swap3A_19 = tpu.vector_load %arg16[%swap3A_18] {strides = array<i32>} : memref<128xf32, #tpu.memory_space<vmem>>, vector<16xf32>,
    %swap3A_20 = vector.shape_cast %swap3A_19 : vector<16xf32> to vector<16xf32>
    %swap3A_21 = vector.shape_cast %broadcast_in_dim3A_17 : vector<16xf32> to vector<16xf32>
    tpu.vector_store %arg16[%swap3A_18], %swap3A_21 {strides = array<i32>} : memref<128xf32, #tpu.memory_space<vmem>>, vector<16xf32>,
    %broadcast_in_dim3A_22 = arith.constant 1.000000e+00 : f32
    %broadcast_in_dim3A_23 = vector.broadcast %broadcast_in_dim3A_22 : f32 to vector<16xf32>
    %swap3A_24 = arith.constant 32 : index
    %swap3A_25 = tpu.vector_load %arg16[%swap3A_24] {strides = array<i32>} : memref<128xf32, #tpu.memory_space<vmem>>, vector<16xf32>,
    %swap3A_26 = vector.shape_cast %swap3A_25 : vector<16xf32> to vector<16xf32>
    %swap3A_27 = vector.shape_cast %broadcast_in_dim3A_23 : vector<16xf32> to vector<16xf32>
    tpu.vector_store %arg16[%swap3A_24], %swap3A_27 {strides = array<i32>} : memref<128xf32, #tpu.memory_space<vmem>>, vector<16xf32>,
    %broadcast_in_dim3A_28 = arith.constant 1.000000e+00 : f32
    %broadcast_in_dim3A_29 = vector.broadcast %broadcast_in_dim3A_28 : f32 to vector<16xf32>
    %swap3A_30 = arith.constant 48 : index
    %swap3A_31 = tpu.vector_load %arg16[%swap3A_30] {strides = array<i32>} : memref<128xf32, #tpu.memory_space<vmem>>, vector<16xf32>,
    %swap3A_32 = vector.shape_cast %swap3A_31 : vector<16xf32> to vector<16xf32>
    %swap3A_33 = vector.shape_cast %broadcast_in_dim3A_29 : vector<16xf32> to vector<16xf32>
    tpu.vector_store %arg16[%swap3A_30], %swap3A_33 {strides = array<i32>} : memref<128xf32, #tpu.memory_space<vmem>>, vector<16xf32>,
    %broadcast_in_dim3A_34 = arith.constant 1.000000e+00 : f32
    %broadcast_in_dim3A_35 = vector.broadcast %broadcast_in_dim3A_34 : f32 to vector<16xf32>
    %swap3A_36 = arith.constant 64 : index
    %swap3A_37 = tpu.vector_load %arg16[%swap3A_36] {strides = array<i32>} : memref<128xf32, #tpu.memory_space<vmem>>, vector<16xf32>,
    %swap3A_38 = vector.shape_cast %swap3A_37 : vector<16xf32> to vector<16xf32>
    %swap3A_39 = vector.shape_cast %broadcast_in_dim3A_35 : vector<16xf32> to vector<16xf32>
    tpu.vector_store %arg16[%swap3A_36], %swap3A_39 {strides = array<i32>} : memref<128xf32, #tpu.memory_space<vmem>>, vector<16xf32>,
    %broadcast_in_dim3A_40 = arith.constant 1.000000e+00 : f32
    %broadcast_in_dim3A_41 = vector.broadcast %broadcast_in_dim3A_40 : f32 to vector<16xf32>
    %swap3A_42 = arith.constant 80 : index
    %swap3A_43 = tpu.vector_load %arg16[%swap3A_42] {strides = array<i32>} : memref<128xf32, #tpu.memory_space<vmem>>, vector<16xf32>,
    %swap3A_44 = vector.shape_cast %swap3A_43 : vector<16xf32> to vector<16xf32>
    %swap3A_45 = vector.shape_cast %broadcast_in_dim3A_41 : vector<16xf32> to vector<16xf32>
    tpu.vector_store %arg16[%swap3A_42], %swap3A_45 {strides = array<i32>} : memref<128xf32, #tpu.memory_space<vmem>>, vector<16xf32>,
    %broadcast_in_dim3A_46 = arith.constant 1.000000e+00 : f32
    %broadcast_in_dim3A_47 = vector.broadcast %broadcast_in_dim3A_46 : f32 to vector<16xf32>
    %swap3A_48 = arith.constant 96 : index
    %swap3A_49 = tpu.vector_load %arg16[%swap3A_48] {strides = array<i32>} : memref<128xf32, #tpu.memory_space<vmem>>, vector<16xf32>,
    %swap3A_50 = vector.shape_cast %swap3A_49 : vector<16xf32> to vector<16xf32>
    %swap3A_51 = vector.shape_cast %broadcast_in_dim3A_47 : vector<16xf32> to vector<16xf32>
    tpu.vector_store %arg16[%swap3A_48], %swap3A_51 {strides = array<i32>} : memref<128xf32, #tpu.memory_space<vmem>>, vector<16xf32>,
    %broadcast_in_dim3A_52 = arith.constant 1.000000e+00 : f32
    %broadcast_in_dim3A_53 = vector.broadcast %broadcast_in_dim3A_52 : f32 to vector<16xf32>
    %swap3A_54 = arith.constant 112 : index
    %swap3A_55 = tpu.vector_load %arg16[%swap3A_54] {strides = array<i32>} : memref<128xf32, #tpu.memory_space<vmem>>, vector<16xf32>,
    %swap3A_56 = vector.shape_cast %swap3A_55 : vector<16xf32> to vector<16xf32>
    %swap3A_57 = vector.shape_cast %broadcast_in_dim3A_53 : vector<16xf32> to vector<16xf32>
    tpu.vector_store %arg16[%swap3A_54], %swap3A_57 {strides = array<i32>} : memref<128xf32, #tpu.memory_space<vmem>>, vector<16xf32>,
    %scan3A_58 = arith.constant 0 : i32
    %scan3A_59 = arith.constant 0 : i32
    %scan3A_60 = arith.constant 128 : i32
    %scan3A_61 = arith.addi %scan3A_59, %scan3A_60 : i32
    %scan3A_62 = arith.constant 1 : i32
    %scan3A_63 = scf.for %scan3A_164 = %scan3A_59 to %scan3A_61 step %scan3A_62 iter_args(%scan3A_165 = %scan3A_58) -> (i32)  : i32 {
      %broadcast_in_dim3A_166 = arith.constant 0.000000e+00 : f32
      %broadcast_in_dim3A_167 = vector.broadcast %broadcast_in_dim3A_166 : f32 to vector<16xf32>
      %swap3A_168 = arith.index_cast %scan3A_164 : i32 to index
      %swap3A_169 = arith.constant 0 : index
      %swap3A_170 = tpu.vector_load %arg13[%swap3A_168, %swap3A_169] {strides = array<i32>} : memref<128x128xf32, #tpu.memory_space<vmem>>, vector<1x16xf32>,
      %swap3A_171 = vector.shape_cast %swap3A_170 : vector<1x16xf32> to vector<16xf32>
      %swap3A_172 = vector.shape_cast %broadcast_in_dim3A_167 : vector<16xf32> to vector<1x16xf32>
      tpu.vector_store %arg13[%swap3A_168, %swap3A_169], %swap3A_172 {strides = array<i32>} : memref<128x128xf32, #tpu.memory_space<vmem>>, vector<1x16xf32>,
      %broadcast_in_dim3A_173 = arith.constant 0.000000e+00 : f32
      %broadcast_in_dim3A_174 = vector.broadcast %broadcast_in_dim3A_173 : f32 to vector<16xf32>
      %swap3A_175 = arith.index_cast %scan3A_164 : i32 to index
      %swap3A_176 = arith.constant 16 : index
      %swap3A_177 = tpu.vector_load %arg13[%swap3A_175, %swap3A_176] {strides = array<i32>} : memref<128x128xf32, #tpu.memory_space<vmem>>, vector<1x16xf32>,
      %swap3A_178 = vector.shape_cast %swap3A_177 : vector<1x16xf32> to vector<16xf32>
      %swap3A_179 = vector.shape_cast %broadcast_in_dim3A_174 : vector<16xf32> to vector<1x16xf32>
      tpu.vector_store %arg13[%swap3A_175, %swap3A_176], %swap3A_179 {strides = array<i32>} : memref<128x128xf32, #tpu.memory_space<vmem>>, vector<1x16xf32>,
      %broadcast_in_dim3A_180 = arith.constant 0.000000e+00 : f32
      %broadcast_in_dim3A_181 = vector.broadcast %broadcast_in_dim3A_180 : f32 to vector<16xf32>
      %swap3A_182 = arith.index_cast %scan3A_164 : i32 to index
      %swap3A_183 = arith.constant 32 : index
      %swap3A_184 = tpu.vector_load %arg13[%swap3A_182, %swap3A_183] {strides = array<i32>} : memref<128x128xf32, #tpu.memory_space<vmem>>, vector<1x16xf32>,
      %swap3A_185 = vector.shape_cast %swap3A_184 : vector<1x16xf32> to vector<16xf32>
      %swap3A_186 = vector.shape_cast %broadcast_in_dim3A_181 : vector<16xf32> to vector<1x16xf32>
      tpu.vector_store %arg13[%swap3A_182, %swap3A_183], %swap3A_186 {strides = array<i32>} : memref<128x128xf32, #tpu.memory_space<vmem>>, vector<1x16xf32>,
      %broadcast_in_dim3A_187 = arith.constant 0.000000e+00 : f32
      %broadcast_in_dim3A_188 = vector.broadcast %broadcast_in_dim3A_187 : f32 to vector<16xf32>
      %swap3A_189 = arith.index_cast %scan3A_164 : i32 to index
      %swap3A_190 = arith.constant 48 : index
      %swap3A_191 = tpu.vector_load %arg13[%swap3A_189, %swap3A_190] {strides = array<i32>} : memref<128x128xf32, #tpu.memory_space<vmem>>, vector<1x16xf32>,
      %swap3A_192 = vector.shape_cast %swap3A_191 : vector<1x16xf32> to vector<16xf32>
      %swap3A_193 = vector.shape_cast %broadcast_in_dim3A_188 : vector<16xf32> to vector<1x16xf32>
      tpu.vector_store %arg13[%swap3A_189, %swap3A_190], %swap3A_193 {strides = array<i32>} : memref<128x128xf32, #tpu.memory_space<vmem>>, vector<1x16xf32>,
      %broadcast_in_dim3A_194 = arith.constant 0.000000e+00 : f32
      %broadcast_in_dim3A_195 = vector.broadcast %broadcast_in_dim3A_194 : f32 to vector<16xf32>
      %swap3A_196 = arith.index_cast %scan3A_164 : i32 to index
      %swap3A_197 = arith.constant 64 : index
      %swap3A_198 = tpu.vector_load %arg13[%swap3A_196, %swap3A_197] {strides = array<i32>} : memref<128x128xf32, #tpu.memory_space<vmem>>, vector<1x16xf32>,
      %swap3A_199 = vector.shape_cast %swap3A_198 : vector<1x16xf32> to vector<16xf32>
      %swap3A_200 = vector.shape_cast %broadcast_in_dim3A_195 : vector<16xf32> to vector<1x16xf32>
      tpu.vector_store %arg13[%swap3A_196, %swap3A_197], %swap3A_200 {strides = array<i32>} : memref<128x128xf32, #tpu.memory_space<vmem>>, vector<1x16xf32>,
      %broadcast_in_dim3A_201 = arith.constant 0.000000e+00 : f32
      %broadcast_in_dim3A_202 = vector.broadcast %broadcast_in_dim3A_201 : f32 to vector<16xf32>
      %swap3A_203 = arith.index_cast %scan3A_164 : i32 to index
      %swap3A_204 = arith.constant 80 : index
      %swap3A_205 = tpu.vector_load %arg13[%swap3A_203, %swap3A_204] {strides = array<i32>} : memref<128x128xf32, #tpu.memory_space<vmem>>, vector<1x16xf32>,
      %swap3A_206 = vector.shape_cast %swap3A_205 : vector<1x16xf32> to vector<16xf32>
      %swap3A_207 = vector.shape_cast %broadcast_in_dim3A_202 : vector<16xf32> to vector<1x16xf32>
      tpu.vector_store %arg13[%swap3A_203, %swap3A_204], %swap3A_207 {strides = array<i32>} : memref<128x128xf32, #tpu.memory_space<vmem>>, vector<1x16xf32>,
      %broadcast_in_dim3A_208 = arith.constant 0.000000e+00 : f32
      %broadcast_in_dim3A_209 = vector.broadcast %broadcast_in_dim3A_208 : f32 to vector<16xf32>
      %swap3A_210 = arith.index_cast %scan3A_164 : i32 to index
      %swap3A_211 = arith.constant 96 : index
      %swap3A_212 = tpu.vector_load %arg13[%swap3A_210, %swap3A_211] {strides = array<i32>} : memref<128x128xf32, #tpu.memory_space<vmem>>, vector<1x16xf32>,
      %swap3A_213 = vector.shape_cast %swap3A_212 : vector<1x16xf32> to vector<16xf32>
      %swap3A_214 = vector.shape_cast %broadcast_in_dim3A_209 : vector<16xf32> to vector<1x16xf32>
      tpu.vector_store %arg13[%swap3A_210, %swap3A_211], %swap3A_214 {strides = array<i32>} : memref<128x128xf32, #tpu.memory_space<vmem>>, vector<1x16xf32>,
      %broadcast_in_dim3A_215 = arith.constant 0.000000e+00 : f32
      %broadcast_in_dim3A_216 = vector.broadcast %broadcast_in_dim3A_215 : f32 to vector<16xf32>
      %swap3A_217 = arith.index_cast %scan3A_164 : i32 to index
      %swap3A_218 = arith.constant 112 : index
      %swap3A_219 = tpu.vector_load %arg13[%swap3A_217, %swap3A_218] {strides = array<i32>} : memref<128x128xf32, #tpu.memory_space<vmem>>, vector<1x16xf32>,
      %swap3A_220 = vector.shape_cast %swap3A_219 : vector<1x16xf32> to vector<16xf32>
      %swap3A_221 = vector.shape_cast %broadcast_in_dim3A_216 : vector<16xf32> to vector<1x16xf32>
      tpu.vector_store %arg13[%swap3A_217, %swap3A_218], %swap3A_221 {strides = array<i32>} : memref<128x128xf32, #tpu.memory_space<vmem>>, vector<1x16xf32>,
      %scan3A_222 = arith.constant 0 : i32
      scf.yield %scan3A_222 : i32
    }
    %scan3A_64 = arith.constant 128 : i32
    %add3A_65 = arith.constant 0 : i32
    %add3A_66 = arith.addi %mul3A_2, %add3A_65 : i32
    "tpu.region"() ({
      %run_scoped3A = tpu.sem_alloc : memref<!tpu.dma_semaphore, #tpu.memory_space<semaphore_mem>>
      %dma_start3A_164 = arith.constant 0 : i32
      %dma_start3A_165 = tpu.memref_slice %arg25[%add3A_66, %dma_start3A_164] : memref<10240x128xf32, #tpu.memory_space<vmem_shared>> -> memref<128x128xf32, #tpu.memory_space<vmem_shared>>
      %dma_start3A_166 = arith.constant 0 : i32
      %dma_start3A_167 = tpu.memref_slice %arg25[%add3A_66, %dma_start3A_166] : memref<10240x128xf32, #tpu.memory_space<vmem_shared>> -> memref<128x128xf32, #tpu.memory_space<vmem_shared>>
      tpu.enqueue_dma source(%arg13 : memref<128x128xf32, #tpu.memory_space<vmem>>) target(%dma_start3A_167 : memref<128x128xf32, #tpu.memory_space<vmem_shared>>) target_semaphore(%run_scoped3A : memref<!tpu.dma_semaphore, #tpu.memory_space<semaphore_mem>>)
      %dma_wait3A_168 = arith.constant 0 : i32
      %dma_wait3A_169 = tpu.memref_slice %arg25[%add3A_66, %dma_wait3A_168] : memref<10240x128xf32, #tpu.memory_space<vmem_shared>> -> memref<128x128xf32, #tpu.memory_space<vmem_shared>>
      %dma_wait3A_170 = arith.constant 0 : i32
      %dma_wait3A_171 = tpu.memref_slice %arg25[%add3A_66, %dma_wait3A_170] : memref<10240x128xf32, #tpu.memory_space<vmem_shared>> -> memref<128x128xf32, #tpu.memory_space<vmem_shared>>
      tpu.wait_dma2 semaphore(%run_scoped3A : memref<!tpu.dma_semaphore, #tpu.memory_space<semaphore_mem>>) src(%arg13 : memref<128x128xf32, #tpu.memory_space<vmem>>) dst(%dma_wait3A_171 : memref<128x128xf32, #tpu.memory_space<vmem_shared>>)
      tpu.yield
    }) : () -> ()
    %add3A_67 = arith.constant 128 : i32
    %add3A_68 = arith.addi %mul3A_2, %add3A_67 : i32
    "tpu.region"() ({
      %run_scoped3A = tpu.sem_alloc : memref<!tpu.dma_semaphore, #tpu.memory_space<semaphore_mem>>
      %dma_start3A_164 = arith.constant 0 : i32
      %dma_start3A_165 = tpu.memref_slice %arg25[%add3A_68, %dma_start3A_164] : memref<10240x128xf32, #tpu.memory_space<vmem_shared>> -> memref<128x128xf32, #tpu.memory_space<vmem_shared>>
      %dma_start3A_166 = arith.constant 0 : i32
      %dma_start3A_167 = tpu.memref_slice %arg25[%add3A_68, %dma_start3A_166] : memref<10240x128xf32, #tpu.memory_space<vmem_shared>> -> memref<128x128xf32, #tpu.memory_space<vmem_shared>>
      tpu.enqueue_dma source(%arg13 : memref<128x128xf32, #tpu.memory_space<vmem>>) target(%dma_start3A_167 : memref<128x128xf32, #tpu.memory_space<vmem_shared>>) target_semaphore(%run_scoped3A : memref<!tpu.dma_semaphore, #tpu.memory_space<semaphore_mem>>)
      %dma_wait3A_168 = arith.constant 0 : i32
      %dma_wait3A_169 = tpu.memref_slice %arg25[%add3A_68, %dma_wait3A_168] : memref<10240x128xf32, #tpu.memory_space<vmem_shared>> -> memref<128x128xf32, #tpu.memory_space<vmem_shared>>
      %dma_wait3A_170 = arith.constant 0 : i32
      %dma_wait3A_171 = tpu.memref_slice %arg25[%add3A_68, %dma_wait3A_170] : memref<10240x128xf32, #tpu.memory_space<vmem_shared>> -> memref<128x128xf32, #tpu.memory_space<vmem_shared>>
      tpu.wait_dma2 semaphore(%run_scoped3A : memref<!tpu.dma_semaphore, #tpu.memory_space<semaphore_mem>>) src(%arg13 : memref<128x128xf32, #tpu.memory_space<vmem>>) dst(%dma_wait3A_171 : memref<128x128xf32, #tpu.memory_space<vmem_shared>>)
      tpu.yield
    }) : () -> ()
    %add3A_69 = arith.constant 256 : i32
    %add3A_70 = arith.addi %mul3A_2, %add3A_69 : i32
    "tpu.region"() ({
      %run_scoped3A = tpu.sem_alloc : memref<!tpu.dma_semaphore, #tpu.memory_space<semaphore_mem>>
      %dma_start3A_164 = arith.constant 0 : i32
      %dma_start3A_165 = tpu.memref_slice %arg25[%add3A_70, %dma_start3A_164] : memref<10240x128xf32, #tpu.memory_space<vmem_shared>> -> memref<128x128xf32, #tpu.memory_space<vmem_shared>>
      %dma_start3A_166 = arith.constant 0 : i32
      %dma_start3A_167 = tpu.memref_slice %arg25[%add3A_70, %dma_start3A_166] : memref<10240x128xf32, #tpu.memory_space<vmem_shared>> -> memref<128x128xf32, #tpu.memory_space<vmem_shared>>
      tpu.enqueue_dma source(%arg13 : memref<128x128xf32, #tpu.memory_space<vmem>>) target(%dma_start3A_167 : memref<128x128xf32, #tpu.memory_space<vmem_shared>>) target_semaphore(%run_scoped3A : memref<!tpu.dma_semaphore, #tpu.memory_space<semaphore_mem>>)
      %dma_wait3A_168 = arith.constant 0 : i32
      %dma_wait3A_169 = tpu.memref_slice %arg25[%add3A_70, %dma_wait3A_168] : memref<10240x128xf32, #tpu.memory_space<vmem_shared>> -> memref<128x128xf32, #tpu.memory_space<vmem_shared>>
      %dma_wait3A_170 = arith.constant 0 : i32
      %dma_wait3A_171 = tpu.memref_slice %arg25[%add3A_70, %dma_wait3A_170] : memref<10240x128xf32, #tpu.memory_space<vmem_shared>> -> memref<128x128xf32, #tpu.memory_space<vmem_shared>>
      tpu.wait_dma2 semaphore(%run_scoped3A : memref<!tpu.dma_semaphore, #tpu.memory_space<semaphore_mem>>) src(%arg13 : memref<128x128xf32, #tpu.memory_space<vmem>>) dst(%dma_wait3A_171 : memref<128x128xf32, #tpu.memory_space<vmem_shared>>)
      tpu.yield
    }) : () -> ()
    %add3A_71 = arith.constant 384 : i32
    %add3A_72 = arith.addi %mul3A_2, %add3A_71 : i32
    "tpu.region"() ({
      %run_scoped3A = tpu.sem_alloc : memref<!tpu.dma_semaphore, #tpu.memory_space<semaphore_mem>>
      %dma_start3A_164 = arith.constant 0 : i32
      %dma_start3A_165 = tpu.memref_slice %arg25[%add3A_72, %dma_start3A_164] : memref<10240x128xf32, #tpu.memory_space<vmem_shared>> -> memref<128x128xf32, #tpu.memory_space<vmem_shared>>
      %dma_start3A_166 = arith.constant 0 : i32
      %dma_start3A_167 = tpu.memref_slice %arg25[%add3A_72, %dma_start3A_166] : memref<10240x128xf32, #tpu.memory_space<vmem_shared>> -> memref<128x128xf32, #tpu.memory_space<vmem_shared>>
      tpu.enqueue_dma source(%arg13 : memref<128x128xf32, #tpu.memory_space<vmem>>) target(%dma_start3A_167 : memref<128x128xf32, #tpu.memory_space<vmem_shared>>) target_semaphore(%run_scoped3A : memref<!tpu.dma_semaphore, #tpu.memory_space<semaphore_mem>>)
      %dma_wait3A_168 = arith.constant 0 : i32
      %dma_wait3A_169 = tpu.memref_slice %arg25[%add3A_72, %dma_wait3A_168] : memref<10240x128xf32, #tpu.memory_space<vmem_shared>> -> memref<128x128xf32, #tpu.memory_space<vmem_shared>>
      %dma_wait3A_170 = arith.constant 0 : i32
      %dma_wait3A_171 = tpu.memref_slice %arg25[%add3A_72, %dma_wait3A_170] : memref<10240x128xf32, #tpu.memory_space<vmem_shared>> -> memref<128x128xf32, #tpu.memory_space<vmem_shared>>
      tpu.wait_dma2 semaphore(%run_scoped3A : memref<!tpu.dma_semaphore, #tpu.memory_space<semaphore_mem>>) src(%arg13 : memref<128x128xf32, #tpu.memory_space<vmem>>) dst(%dma_wait3A_171 : memref<128x128xf32, #tpu.memory_space<vmem_shared>>)
      tpu.yield
    }) : () -> ()
    %add3A_73 = arith.constant 512 : i32
    %add3A_74 = arith.addi %mul3A_2, %add3A_73 : i32
    "tpu.region"() ({
      %run_scoped3A = tpu.sem_alloc : memref<!tpu.dma_semaphore, #tpu.memory_space<semaphore_mem>>
      %dma_start3A_164 = arith.constant 0 : i32
      %dma_start3A_165 = tpu.memref_slice %arg25[%add3A_74, %dma_start3A_164] : memref<10240x128xf32, #tpu.memory_space<vmem_shared>> -> memref<128x128xf32, #tpu.memory_space<vmem_shared>>
      %dma_start3A_166 = arith.constant 0 : i32
      %dma_start3A_167 = tpu.memref_slice %arg25[%add3A_74, %dma_start3A_166] : memref<10240x128xf32, #tpu.memory_space<vmem_shared>> -> memref<128x128xf32, #tpu.memory_space<vmem_shared>>
      tpu.enqueue_dma source(%arg13 : memref<128x128xf32, #tpu.memory_space<vmem>>) target(%dma_start3A_167 : memref<128x128xf32, #tpu.memory_space<vmem_shared>>) target_semaphore(%run_scoped3A : memref<!tpu.dma_semaphore, #tpu.memory_space<semaphore_mem>>)
      %dma_wait3A_168 = arith.constant 0 : i32
      %dma_wait3A_169 = tpu.memref_slice %arg25[%add3A_74, %dma_wait3A_168] : memref<10240x128xf32, #tpu.memory_space<vmem_shared>> -> memref<128x128xf32, #tpu.memory_space<vmem_shared>>
      %dma_wait3A_170 = arith.constant 0 : i32
      %dma_wait3A_171 = tpu.memref_slice %arg25[%add3A_74, %dma_wait3A_170] : memref<10240x128xf32, #tpu.memory_space<vmem_shared>> -> memref<128x128xf32, #tpu.memory_space<vmem_shared>>
      tpu.wait_dma2 semaphore(%run_scoped3A : memref<!tpu.dma_semaphore, #tpu.memory_space<semaphore_mem>>) src(%arg13 : memref<128x128xf32, #tpu.memory_space<vmem>>) dst(%dma_wait3A_171 : memref<128x128xf32, #tpu.memory_space<vmem_shared>>)
      tpu.yield
    }) : () -> ()
    "tpu.region"() ({
      %run_scoped3A = tpu.sem_alloc : memref<!tpu.dma_semaphore, #tpu.memory_space<semaphore_mem>>
      %dma_start3A_164 = tpu.memref_slice %arg26[%mul3A_2] : memref<10240xf32, #tpu.memory_space<vmem_shared>> -> memref<640xf32, #tpu.memory_space<vmem_shared>>
      %dma_start3A_165 = tpu.memref_slice %arg26[%mul3A_2] : memref<10240xf32, #tpu.memory_space<vmem_shared>> -> memref<640xf32, #tpu.memory_space<vmem_shared>>
      tpu.enqueue_dma source(%arg15 : memref<640xf32, #tpu.memory_space<vmem>>) target(%dma_start3A_165 : memref<640xf32, #tpu.memory_space<vmem_shared>>) target_semaphore(%run_scoped3A : memref<!tpu.dma_semaphore, #tpu.memory_space<semaphore_mem>>)
      %dma_wait3A_166 = tpu.memref_slice %arg26[%mul3A_2] : memref<10240xf32, #tpu.memory_space<vmem_shared>> -> memref<640xf32, #tpu.memory_space<vmem_shared>>
      %dma_wait3A_167 = tpu.memref_slice %arg26[%mul3A_2] : memref<10240xf32, #tpu.memory_space<vmem_shared>> -> memref<640xf32, #tpu.memory_space<vmem_shared>>
      tpu.wait_dma2 semaphore(%run_scoped3A : memref<!tpu.dma_semaphore, #tpu.memory_space<semaphore_mem>>) src(%arg15 : memref<640xf32, #tpu.memory_space<vmem>>) dst(%dma_wait3A_167 : memref<640xf32, #tpu.memory_space<vmem_shared>>)
      tpu.yield
    }) : () -> ()
    %barrier3A = arith.constant 0 : index
    tpu.barrier barrier_id(%barrier3A)
    %mul3A_75 = arith.constant 80 : i32
    %mul3A_76 = arith.muli %add3A, %mul3A_75 : i32
    %mul3A_77 = arith.constant 80 : i32
    %mul3A_78 = arith.muli %add3A, %mul3A_77 : i32
    %add3A_79 = arith.constant 0 : i32
    %add3A_80 = arith.addi %mul3A_76, %add3A_79 : i32
    %mul3A_81 = arith.constant 128 : i32
    %mul3A_82 = arith.muli %add3A_80, %mul3A_81 : i32
    %dma_start3A = tpu.memref_slice %arg3[%mul3A_82] : memref<327680xi32, #tpu.memory_space<hbm>> -> memref<128xi32, #tpu.memory_space<hbm>>
    %dma_start3A_83 = tpu.memref_slice %arg3[%mul3A_82] : memref<327680xi32, #tpu.memory_space<hbm>> -> memref<128xi32, #tpu.memory_space<hbm>>
    tpu.enqueue_dma source(%dma_start3A_83 : memref<128xi32, #tpu.memory_space<hbm>>) target(%arg9 : memref<128xi32, #tpu.memory_space<vmem>>) target_semaphore(%arg17 : memref<!tpu.dma_semaphore, #tpu.memory_space<semaphore_mem>>)
    %add3A_84 = arith.constant 0 : i32
    %add3A_85 = arith.addi %mul3A_78, %add3A_84 : i32
    %mul3A_86 = arith.constant 128 : i32
    %mul3A_87 = arith.muli %add3A_85, %mul3A_86 : i32
    %dma_start3A_88 = tpu.memref_slice %arg5[%mul3A_87] : memref<327680xi32, #tpu.memory_space<hbm>> -> memref<128xi32, #tpu.memory_space<hbm>>
    %dma_start3A_89 = tpu.memref_slice %arg5[%mul3A_87] : memref<327680xi32, #tpu.memory_space<hbm>> -> memref<128xi32, #tpu.memory_space<hbm>>
    tpu.enqueue_dma source(%dma_start3A_89 : memref<128xi32, #tpu.memory_space<hbm>>) target(%arg11 : memref<128xi32, #tpu.memory_space<vmem>>) target_semaphore(%arg18 : memref<!tpu.dma_semaphore, #tpu.memory_space<semaphore_mem>>)
    %add3A_90 = arith.constant 1 : i32
    %add3A_91 = arith.addi %mul3A_76, %add3A_90 : i32
    %mul3A_92 = arith.constant 128 : i32
    %mul3A_93 = arith.muli %add3A_91, %mul3A_92 : i32
    %dma_start3A_94 = tpu.memref_slice %arg3[%mul3A_93] : memref<327680xi32, #tpu.memory_space<hbm>> -> memref<128xi32, #tpu.memory_space<hbm>>
    %dma_start3A_95 = tpu.memref_slice %arg3[%mul3A_93] : memref<327680xi32, #tpu.memory_space<hbm>> -> memref<128xi32, #tpu.memory_space<hbm>>
    tpu.enqueue_dma source(%dma_start3A_95 : memref<128xi32, #tpu.memory_space<hbm>>) target(%arg10 : memref<128xi32, #tpu.memory_space<vmem>>) target_semaphore(%arg19 : memref<!tpu.dma_semaphore, #tpu.memory_space<semaphore_mem>>)
    %add3A_96 = arith.constant 1 : i32
    %add3A_97 = arith.addi %mul3A_78, %add3A_96 : i32
    %mul3A_98 = arith.constant 128 : i32
    %mul3A_99 = arith.muli %add3A_97, %mul3A_98 : i32
    %dma_start3A_100 = tpu.memref_slice %arg5[%mul3A_99] : memref<327680xi32, #tpu.memory_space<hbm>> -> memref<128xi32, #tpu.memory_space<hbm>>
    %dma_start3A_101 = tpu.memref_slice %arg5[%mul3A_99] : memref<327680xi32, #tpu.memory_space<hbm>> -> memref<128xi32, #tpu.memory_space<hbm>>
    tpu.enqueue_dma source(%dma_start3A_101 : memref<128xi32, #tpu.memory_space<hbm>>) target(%arg12 : memref<128xi32, #tpu.memory_space<vmem>>) target_semaphore(%arg20 : memref<!tpu.dma_semaphore, #tpu.memory_space<semaphore_mem>>)
    %add3A_102 = arith.constant 0 : i32
    %add3A_103 = arith.addi %mul3A_76, %add3A_102 : i32
    %mul3A_104 = arith.constant 128 : i32
    %mul3A_105 = arith.muli %add3A_103, %mul3A_104 : i32
    %dma_wait3A = tpu.memref_slice %arg3[%mul3A_105] : memref<327680xi32, #tpu.memory_space<hbm>> -> memref<128xi32, #tpu.memory_space<hbm>>
    %dma_wait3A_106 = tpu.memref_slice %arg3[%mul3A_105] : memref<327680xi32, #tpu.memory_space<hbm>> -> memref<128xi32, #tpu.memory_space<hbm>>
    tpu.wait_dma2 semaphore(%arg17 : memref<!tpu.dma_semaphore, #tpu.memory_space<semaphore_mem>>) src(%dma_wait3A_106 : memref<128xi32, #tpu.memory_space<hbm>>) dst(%arg9 : memref<128xi32, #tpu.memory_space<vmem>>)
    %add3A_107 = arith.constant 0 : i32
    %add3A_108 = arith.addi %mul3A_78, %add3A_107 : i32
    %mul3A_109 = arith.constant 128 : i32
    %mul3A_110 = arith.muli %add3A_108, %mul3A_109 : i32
    %dma_wait3A_111 = tpu.memref_slice %arg5[%mul3A_110] : memref<327680xi32, #tpu.memory_space<hbm>> -> memref<128xi32, #tpu.memory_space<hbm>>
    %dma_wait3A_112 = tpu.memref_slice %arg5[%mul3A_110] : memref<327680xi32, #tpu.memory_space<hbm>> -> memref<128xi32, #tpu.memory_space<hbm>>
    tpu.wait_dma2 semaphore(%arg18 : memref<!tpu.dma_semaphore, #tpu.memory_space<semaphore_mem>>) src(%dma_wait3A_112 : memref<128xi32, #tpu.memory_space<hbm>>) dst(%arg11 : memref<128xi32, #tpu.memory_space<vmem>>)
    %dma_start3A_113 = arith.constant 0 : i32
    %dma_start3A_114 = arith.constant 0 : i32
    %dma_start3A_115 = tpu.memref_slice %arg25[%dma_start3A_113, %dma_start3A_114] : memref<10240x128xf32, #tpu.memory_space<vmem_shared>> -> memref<10240x128xf32, #tpu.memory_space<vmem_shared>>
    tpu.enqueue_indirect_dma source(%dma_start3A_115 : memref<10240x128xf32, #tpu.memory_space<vmem_shared>>) target(%arg13 : memref<128x128xf32, #tpu.memory_space<vmem>>) offsets(%arg9 : memref<128xi32, #tpu.memory_space<vmem>>) semaphore(%arg21 : memref<!tpu.dma_semaphore, #tpu.memory_space<semaphore_mem>>)
    %scan3A_116 = arith.constant 0 : i32
    %scan3A_117 = arith.constant 0 : i32
    %scan3A_118 = arith.constant 39 : i32
    %scan3A_119 = arith.addi %scan3A_117, %scan3A_118 : i32
    %scan3A_120 = arith.constant 1 : i32
    %scan3A_121 = scf.for %scan3A_164 = %scan3A_117 to %scan3A_119 step %scan3A_120 iter_args(%scan3A_165 = %scan3A_116) -> (i32)  : i32 {
      %mul3A_166 = arith.constant 2 : i32
      %mul3A_167 = arith.muli %mul3A_166, %scan3A_164 : i32
      %add3A_168 = arith.constant 1 : i32
      %add3A_169 = arith.addi %mul3A_167, %add3A_168 : i32
      %add3A_170 = arith.addi %mul3A_76, %add3A_169 : i32
      %mul3A_171 = arith.constant 128 : i32
      %mul3A_172 = arith.muli %add3A_170, %mul3A_171 : i32
      %dma_wait3A_173 = tpu.memref_slice %arg3[%mul3A_172] : memref<327680xi32, #tpu.memory_space<hbm>> -> memref<128xi32, #tpu.memory_space<hbm>>
      %dma_wait3A_174 = tpu.memref_slice %arg3[%mul3A_172] : memref<327680xi32, #tpu.memory_space<hbm>> -> memref<128xi32, #tpu.memory_space<hbm>>
      tpu.wait_dma2 semaphore(%arg19 : memref<!tpu.dma_semaphore, #tpu.memory_space<semaphore_mem>>) src(%dma_wait3A_174 : memref<128xi32, #tpu.memory_space<hbm>>) dst(%arg10 : memref<128xi32, #tpu.memory_space<vmem>>)
      %add3A_175 = arith.addi %mul3A_78, %add3A_169 : i32
      %mul3A_176 = arith.constant 128 : i32
      %mul3A_177 = arith.muli %add3A_175, %mul3A_176 : i32
      %dma_wait3A_178 = tpu.memref_slice %arg5[%mul3A_177] : memref<327680xi32, #tpu.memory_space<hbm>> -> memref<128xi32, #tpu.memory_space<hbm>>
      %dma_wait3A_179 = tpu.memref_slice %arg5[%mul3A_177] : memref<327680xi32, #tpu.memory_space<hbm>> -> memref<128xi32, #tpu.memory_space<hbm>>
      tpu.wait_dma2 semaphore(%arg20 : memref<!tpu.dma_semaphore, #tpu.memory_space<semaphore_mem>>) src(%dma_wait3A_179 : memref<128xi32, #tpu.memory_space<hbm>>) dst(%arg12 : memref<128xi32, #tpu.memory_space<vmem>>)
      %dma_start3A_180 = arith.constant 0 : i32
      %dma_start3A_181 = arith.constant 0 : i32
      %dma_start3A_182 = tpu.memref_slice %arg25[%dma_start3A_180, %dma_start3A_181] : memref<10240x128xf32, #tpu.memory_space<vmem_shared>> -> memref<10240x128xf32, #tpu.memory_space<vmem_shared>>
      tpu.enqueue_indirect_dma source(%dma_start3A_182 : memref<10240x128xf32, #tpu.memory_space<vmem_shared>>) target(%arg14 : memref<128x128xf32, #tpu.memory_space<vmem>>) offsets(%arg10 : memref<128xi32, #tpu.memory_space<vmem>>) semaphore(%arg22 : memref<!tpu.dma_semaphore, #tpu.memory_space<semaphore_mem>>)
      %dma_wait3A_183 = arith.constant 0 : i32
      %dma_wait3A_184 = arith.constant 0 : i32
      %dma_wait3A_185 = tpu.memref_slice %arg25[%dma_wait3A_183, %dma_wait3A_184] : memref<10240x128xf32, #tpu.memory_space<vmem_shared>> -> memref<10240x128xf32, #tpu.memory_space<vmem_shared>>
      tpu.wait_indirect_dma semaphore(%arg21 : memref<!tpu.dma_semaphore, #tpu.memory_space<semaphore_mem>>) src(%dma_wait3A_185 : memref<10240x128xf32, #tpu.memory_space<vmem_shared>>) dst(%arg13 : memref<128x128xf32, #tpu.memory_space<vmem>>)
      %add3A_186 = arith.constant 2 : i32
      %add3A_187 = arith.addi %mul3A_167, %add3A_186 : i32
      %add3A_188 = arith.addi %mul3A_76, %add3A_187 : i32
      %mul3A_189 = arith.constant 128 : i32
      %mul3A_190 = arith.muli %add3A_188, %mul3A_189 : i32
      %dma_start3A_191 = tpu.memref_slice %arg3[%mul3A_190] : memref<327680xi32, #tpu.memory_space<hbm>> -> memref<128xi32, #tpu.memory_space<hbm>>
      %dma_start3A_192 = tpu.memref_slice %arg3[%mul3A_190] : memref<327680xi32, #tpu.memory_space<hbm>> -> memref<128xi32, #tpu.memory_space<hbm>>
      tpu.enqueue_dma source(%dma_start3A_192 : memref<128xi32, #tpu.memory_space<hbm>>) target(%arg9 : memref<128xi32, #tpu.memory_space<vmem>>) target_semaphore(%arg17 : memref<!tpu.dma_semaphore, #tpu.memory_space<semaphore_mem>>)
      %add3A_193 = arith.addi %mul3A_78, %add3A_187 : i32
      %mul3A_194 = arith.constant 128 : i32
      %mul3A_195 = arith.muli %add3A_193, %mul3A_194 : i32
      %dma_start3A_196 = tpu.memref_slice %arg5[%mul3A_195] : memref<327680xi32, #tpu.memory_space<hbm>> -> memref<128xi32, #tpu.memory_space<hbm>>
      %dma_start3A_197 = tpu.memref_slice %arg5[%mul3A_195] : memref<327680xi32, #tpu.memory_space<hbm>> -> memref<128xi32, #tpu.memory_space<hbm>>
      tpu.enqueue_dma source(%dma_start3A_197 : memref<128xi32, #tpu.memory_space<hbm>>) target(%arg11 : memref<128xi32, #tpu.memory_space<vmem>>) target_semaphore(%arg18 : memref<!tpu.dma_semaphore, #tpu.memory_space<semaphore_mem>>)
      %mul3A_198 = arith.constant 2 : i32
      %mul3A_199 = arith.muli %mul3A_198, %scan3A_164 : i32
      %add3A_200 = arith.constant 1 : i32
      %add3A_201 = arith.addi %mul3A_199, %add3A_200 : i32
      %add3A_202 = arith.constant 1 : i32
      %add3A_203 = arith.addi %add3A_201, %add3A_202 : i32
      %add3A_204 = arith.addi %mul3A_76, %add3A_203 : i32
      %mul3A_205 = arith.constant 128 : i32
      %mul3A_206 = arith.muli %add3A_204, %mul3A_205 : i32
      %dma_wait3A_207 = tpu.memref_slice %arg3[%mul3A_206] : memref<327680xi32, #tpu.memory_space<hbm>> -> memref<128xi32, #tpu.memory_space<hbm>>
      %dma_wait3A_208 = tpu.memref_slice %arg3[%mul3A_206] : memref<327680xi32, #tpu.memory_space<hbm>> -> memref<128xi32, #tpu.memory_space<hbm>>
      tpu.wait_dma2 semaphore(%arg17 : memref<!tpu.dma_semaphore, #tpu.memory_space<semaphore_mem>>) src(%dma_wait3A_208 : memref<128xi32, #tpu.memory_space<hbm>>) dst(%arg9 : memref<128xi32, #tpu.memory_space<vmem>>)
      %add3A_209 = arith.addi %mul3A_78, %add3A_203 : i32
      %mul3A_210 = arith.constant 128 : i32
      %mul3A_211 = arith.muli %add3A_209, %mul3A_210 : i32
      %dma_wait3A_212 = tpu.memref_slice %arg5[%mul3A_211] : memref<327680xi32, #tpu.memory_space<hbm>> -> memref<128xi32, #tpu.memory_space<hbm>>
      %dma_wait3A_213 = tpu.memref_slice %arg5[%mul3A_211] : memref<327680xi32, #tpu.memory_space<hbm>> -> memref<128xi32, #tpu.memory_space<hbm>>
      tpu.wait_dma2 semaphore(%arg18 : memref<!tpu.dma_semaphore, #tpu.memory_space<semaphore_mem>>) src(%dma_wait3A_213 : memref<128xi32, #tpu.memory_space<hbm>>) dst(%arg11 : memref<128xi32, #tpu.memory_space<vmem>>)
      %dma_start3A_214 = arith.constant 0 : i32
      %dma_start3A_215 = arith.constant 0 : i32
      %dma_start3A_216 = tpu.memref_slice %arg25[%dma_start3A_214, %dma_start3A_215] : memref<10240x128xf32, #tpu.memory_space<vmem_shared>> -> memref<10240x128xf32, #tpu.memory_space<vmem_shared>>
      tpu.enqueue_indirect_dma source(%dma_start3A_216 : memref<10240x128xf32, #tpu.memory_space<vmem_shared>>) target(%arg13 : memref<128x128xf32, #tpu.memory_space<vmem>>) offsets(%arg9 : memref<128xi32, #tpu.memory_space<vmem>>) semaphore(%arg21 : memref<!tpu.dma_semaphore, #tpu.memory_space<semaphore_mem>>)
      %dma_wait3A_217 = arith.constant 0 : i32
      %dma_wait3A_218 = arith.constant 0 : i32
      %dma_wait3A_219 = tpu.memref_slice %arg25[%dma_wait3A_217, %dma_wait3A_218] : memref<10240x128xf32, #tpu.memory_space<vmem_shared>> -> memref<10240x128xf32, #tpu.memory_space<vmem_shared>>
      tpu.wait_indirect_dma semaphore(%arg22 : memref<!tpu.dma_semaphore, #tpu.memory_space<semaphore_mem>>) src(%dma_wait3A_219 : memref<10240x128xf32, #tpu.memory_space<vmem_shared>>) dst(%arg14 : memref<128x128xf32, #tpu.memory_space<vmem>>)
      %add3A_220 = arith.constant 2 : i32
      %add3A_221 = arith.addi %add3A_201, %add3A_220 : i32
      %add3A_222 = arith.addi %mul3A_76, %add3A_221 : i32
      %mul3A_223 = arith.constant 128 : i32
      %mul3A_224 = arith.muli %add3A_222, %mul3A_223 : i32
      %dma_start3A_225 = tpu.memref_slice %arg3[%mul3A_224] : memref<327680xi32, #tpu.memory_space<hbm>> -> memref<128xi32, #tpu.memory_space<hbm>>
      %dma_start3A_226 = tpu.memref_slice %arg3[%mul3A_224] : memref<327680xi32, #tpu.memory_space<hbm>> -> memref<128xi32, #tpu.memory_space<hbm>>
      tpu.enqueue_dma source(%dma_start3A_226 : memref<128xi32, #tpu.memory_space<hbm>>) target(%arg10 : memref<128xi32, #tpu.memory_space<vmem>>) target_semaphore(%arg19 : memref<!tpu.dma_semaphore, #tpu.memory_space<semaphore_mem>>)
      %add3A_227 = arith.addi %mul3A_78, %add3A_221 : i32
      %mul3A_228 = arith.constant 128 : i32
      %mul3A_229 = arith.muli %add3A_227, %mul3A_228 : i32
      %dma_start3A_230 = tpu.memref_slice %arg5[%mul3A_229] : memref<327680xi32, #tpu.memory_space<hbm>> -> memref<128xi32, #tpu.memory_space<hbm>>
      %dma_start3A_231 = tpu.memref_slice %arg5[%mul3A_229] : memref<327680xi32, #tpu.memory_space<hbm>> -> memref<128xi32, #tpu.memory_space<hbm>>
      tpu.enqueue_dma source(%dma_start3A_231 : memref<128xi32, #tpu.memory_space<hbm>>) target(%arg12 : memref<128xi32, #tpu.memory_space<vmem>>) target_semaphore(%arg20 : memref<!tpu.dma_semaphore, #tpu.memory_space<semaphore_mem>>)
      %scan3A_232 = arith.constant 0 : i32
      scf.yield %scan3A_232 : i32
    }
    %scan3A_122 = arith.constant 39 : i32
    %add3A_123 = arith.constant 79 : i32
    %add3A_124 = arith.addi %mul3A_76, %add3A_123 : i32
    %mul3A_125 = arith.constant 128 : i32
    %mul3A_126 = arith.muli %add3A_124, %mul3A_125 : i32
    %dma_wait3A_127 = tpu.memref_slice %arg3[%mul3A_126] : memref<327680xi32, #tpu.memory_space<hbm>> -> memref<128xi32, #tpu.memory_space<hbm>>
    %dma_wait3A_128 = tpu.memref_slice %arg3[%mul3A_126] : memref<327680xi32, #tpu.memory_space<hbm>> -> memref<128xi32, #tpu.memory_space<hbm>>
    tpu.wait_dma2 semaphore(%arg19 : memref<!tpu.dma_semaphore, #tpu.memory_space<semaphore_mem>>) src(%dma_wait3A_128 : memref<128xi32, #tpu.memory_space<hbm>>) dst(%arg10 : memref<128xi32, #tpu.memory_space<vmem>>)
    %add3A_129 = arith.constant 79 : i32
    %add3A_130 = arith.addi %mul3A_78, %add3A_129 : i32
    %mul3A_131 = arith.constant 128 : i32
    %mul3A_132 = arith.muli %add3A_130, %mul3A_131 : i32
    %dma_wait3A_133 = tpu.memref_slice %arg5[%mul3A_132] : memref<327680xi32, #tpu.memory_space<hbm>> -> memref<128xi32, #tpu.memory_space<hbm>>
    %dma_wait3A_134 = tpu.memref_slice %arg5[%mul3A_132] : memref<327680xi32, #tpu.memory_space<hbm>> -> memref<128xi32, #tpu.memory_space<hbm>>
    tpu.wait_dma2 semaphore(%arg20 : memref<!tpu.dma_semaphore, #tpu.memory_space<semaphore_mem>>) src(%dma_wait3A_134 : memref<128xi32, #tpu.memory_space<hbm>>) dst(%arg12 : memref<128xi32, #tpu.memory_space<vmem>>)
    %dma_start3A_135 = arith.constant 0 : i32
    %dma_start3A_136 = arith.constant 0 : i32
    %dma_start3A_137 = tpu.memref_slice %arg25[%dma_start3A_135, %dma_start3A_136] : memref<10240x128xf32, #tpu.memory_space<vmem_shared>> -> memref<10240x128xf32, #tpu.memory_space<vmem_shared>>
    tpu.enqueue_indirect_dma source(%dma_start3A_137 : memref<10240x128xf32, #tpu.memory_space<vmem_shared>>) target(%arg14 : memref<128x128xf32, #tpu.memory_space<vmem>>) offsets(%arg10 : memref<128xi32, #tpu.memory_space<vmem>>) semaphore(%arg22 : memref<!tpu.dma_semaphore, #tpu.memory_space<semaphore_mem>>)
    %dma_wait3A_138 = arith.constant 0 : i32
    %dma_wait3A_139 = arith.constant 0 : i32
    %dma_wait3A_140 = tpu.memref_slice %arg25[%dma_wait3A_138, %dma_wait3A_139] : memref<10240x128xf32, #tpu.memory_space<vmem_shared>> -> memref<10240x128xf32, #tpu.memory_space<vmem_shared>>
    tpu.wait_indirect_dma semaphore(%arg21 : memref<!tpu.dma_semaphore, #tpu.memory_space<semaphore_mem>>) src(%dma_wait3A_140 : memref<10240x128xf32, #tpu.memory_space<vmem_shared>>) dst(%arg13 : memref<128x128xf32, #tpu.memory_space<vmem>>)
    %dma_wait3A_141 = arith.constant 0 : i32
    %dma_wait3A_142 = arith.constant 0 : i32
    %dma_wait3A_143 = tpu.memref_slice %arg25[%dma_wait3A_141, %dma_wait3A_142] : memref<10240x128xf32, #tpu.memory_space<vmem_shared>> -> memref<10240x128xf32, #tpu.memory_space<vmem_shared>>
    tpu.wait_indirect_dma semaphore(%arg22 : memref<!tpu.dma_semaphore, #tpu.memory_space<semaphore_mem>>) src(%dma_wait3A_143 : memref<10240x128xf32, #tpu.memory_space<vmem_shared>>) dst(%arg14 : memref<128x128xf32, #tpu.memory_space<vmem>>)
    %barrier3A_144 = arith.constant 0 : index
    tpu.barrier barrier_id(%barrier3A_144)
    "tpu.region"() ({
      %run_scoped3A = tpu.sem_alloc : memref<!tpu.dma_semaphore, #tpu.memory_space<semaphore_mem>>
      %dma_start3A_164 = arith.constant 0 : i32
      %dma_start3A_165 = tpu.memref_slice %arg6[%add3A_5, %dma_start3A_164] : memref<20480x128xf32, #tpu.memory_space<hbm>> -> memref<640x128xf32, #tpu.memory_space<hbm>>
      %dma_start3A_166 = arith.constant 0 : i32
      %dma_start3A_167 = tpu.memref_slice %arg25[%mul3A_2, %dma_start3A_166] : memref<10240x128xf32, #tpu.memory_space<vmem_shared>> -> memref<640x128xf32, #tpu.memory_space<vmem_shared>>
      tpu.enqueue_dma source(%dma_start3A_167 : memref<640x128xf32, #tpu.memory_space<vmem_shared>>) target(%dma_start3A_165 : memref<640x128xf32, #tpu.memory_space<hbm>>) target_semaphore(%run_scoped3A : memref<!tpu.dma_semaphore, #tpu.memory_space<semaphore_mem>>)
      %dma_wait3A_168 = arith.constant 0 : i32
      %dma_wait3A_169 = tpu.memref_slice %arg6[%add3A_5, %dma_wait3A_168] : memref<20480x128xf32, #tpu.memory_space<hbm>> -> memref<640x128xf32, #tpu.memory_space<hbm>>
      %dma_wait3A_170 = arith.constant 0 : i32
      %dma_wait3A_171 = tpu.memref_slice %arg25[%mul3A_2, %dma_wait3A_170] : memref<10240x128xf32, #tpu.memory_space<vmem_shared>> -> memref<640x128xf32, #tpu.memory_space<vmem_shared>>
      tpu.wait_dma2 semaphore(%run_scoped3A : memref<!tpu.dma_semaphore, #tpu.memory_space<semaphore_mem>>) src(%dma_wait3A_171 : memref<640x128xf32, #tpu.memory_space<vmem_shared>>) dst(%dma_wait3A_169 : memref<640x128xf32, #tpu.memory_space<hbm>>)
      tpu.yield
    }) : () -> ()
    "tpu.region"() ({
      %run_scoped3A = tpu.sem_alloc : memref<!tpu.dma_semaphore, #tpu.memory_space<semaphore_mem>>
      %dma_start3A_164 = tpu.memref_slice %arg8[%add3A_5] : memref<20480xf32, #tpu.memory_space<hbm>> -> memref<640xf32, #tpu.memory_space<hbm>>
      %dma_start3A_165 = tpu.memref_slice %arg26[%mul3A_2] : memref<10240xf32, #tpu.memory_space<vmem_shared>> -> memref<640xf32, #tpu.memory_space<vmem_shared>>
      tpu.enqueue_dma source(%dma_start3A_165 : memref<640xf32, #tpu.memory_space<vmem_shared>>) target(%dma_start3A_164 : memref<640xf32, #tpu.memory_space<hbm>>) target_semaphore(%run_scoped3A : memref<!tpu.dma_semaphore, #tpu.memory_space<semaphore_mem>>)
      %dma_wait3A_166 = tpu.memref_slice %arg8[%add3A_5] : memref<20480xf32, #tpu.memory_space<hbm>> -> memref<640xf32, #tpu.memory_space<hbm>>
      %dma_wait3A_167 = tpu.memref_slice %arg26[%mul3A_2] : memref<10240xf32, #tpu.memory_space<vmem_shared>> -> memref<640xf32, #tpu.memory_space<vmem_shared>>
      tpu.wait_dma2 semaphore(%run_scoped3A : memref<!tpu.dma_semaphore, #tpu.memory_space<semaphore_mem>>) src(%dma_wait3A_167 : memref<640xf32, #tpu.memory_space<vmem_shared>>) dst(%dma_wait3A_166 : memref<640xf32, #tpu.memory_space<hbm>>)
      tpu.yield
    }) : () -> ()
    %scan3A_145 = arith.constant 0 : i32
    %scan3A_146 = arith.constant 0 : i32
    %scan3A_147 = arith.constant 128 : i32
    %scan3A_148 = arith.addi %scan3A_146, %scan3A_147 : i32
    %scan3A_149 = arith.constant 1 : i32
    %scan3A_150 = scf.for %scan3A_164 = %scan3A_146 to %scan3A_148 step %scan3A_149 iter_args(%scan3A_165 = %scan3A_145) -> (i32)  : i32 {
      %broadcast_in_dim3A_166 = arith.constant 0.000000e+00 : f32
      %broadcast_in_dim3A_167 = vector.broadcast %broadcast_in_dim3A_166 : f32 to vector<16xf32>
      %swap3A_168 = arith.index_cast %scan3A_164 : i32 to index
      %swap3A_169 = arith.constant 0 : index
      %swap3A_170 = tpu.vector_load %arg13[%swap3A_168, %swap3A_169] {strides = array<i32>} : memref<128x128xf32, #tpu.memory_space<vmem>>, vector<1x16xf32>,
      %swap3A_171 = vector.shape_cast %swap3A_170 : vector<1x16xf32> to vector<16xf32>
      %swap3A_172 = vector.shape_cast %broadcast_in_dim3A_167 : vector<16xf32> to vector<1x16xf32>
      tpu.vector_store %arg13[%swap3A_168, %swap3A_169], %swap3A_172 {strides = array<i32>} : memref<128x128xf32, #tpu.memory_space<vmem>>, vector<1x16xf32>,
      %broadcast_in_dim3A_173 = arith.constant 0.000000e+00 : f32
      %broadcast_in_dim3A_174 = vector.broadcast %broadcast_in_dim3A_173 : f32 to vector<16xf32>
      %swap3A_175 = arith.index_cast %scan3A_164 : i32 to index
      %swap3A_176 = arith.constant 16 : index
      %swap3A_177 = tpu.vector_load %arg13[%swap3A_175, %swap3A_176] {strides = array<i32>} : memref<128x128xf32, #tpu.memory_space<vmem>>, vector<1x16xf32>,
      %swap3A_178 = vector.shape_cast %swap3A_177 : vector<1x16xf32> to vector<16xf32>
      %swap3A_179 = vector.shape_cast %broadcast_in_dim3A_174 : vector<16xf32> to vector<1x16xf32>
      tpu.vector_store %arg13[%swap3A_175, %swap3A_176], %swap3A_179 {strides = array<i32>} : memref<128x128xf32, #tpu.memory_space<vmem>>, vector<1x16xf32>,
      %broadcast_in_dim3A_180 = arith.constant 0.000000e+00 : f32
      %broadcast_in_dim3A_181 = vector.broadcast %broadcast_in_dim3A_180 : f32 to vector<16xf32>
      %swap3A_182 = arith.index_cast %scan3A_164 : i32 to index
      %swap3A_183 = arith.constant 32 : index
      %swap3A_184 = tpu.vector_load %arg13[%swap3A_182, %swap3A_183] {strides = array<i32>} : memref<128x128xf32, #tpu.memory_space<vmem>>, vector<1x16xf32>,
      %swap3A_185 = vector.shape_cast %swap3A_184 : vector<1x16xf32> to vector<16xf32>
      %swap3A_186 = vector.shape_cast %broadcast_in_dim3A_181 : vector<16xf32> to vector<1x16xf32>
      tpu.vector_store %arg13[%swap3A_182, %swap3A_183], %swap3A_186 {strides = array<i32>} : memref<128x128xf32, #tpu.memory_space<vmem>>, vector<1x16xf32>,
      %broadcast_in_dim3A_187 = arith.constant 0.000000e+00 : f32
      %broadcast_in_dim3A_188 = vector.broadcast %broadcast_in_dim3A_187 : f32 to vector<16xf32>
      %swap3A_189 = arith.index_cast %scan3A_164 : i32 to index
      %swap3A_190 = arith.constant 48 : index
      %swap3A_191 = tpu.vector_load %arg13[%swap3A_189, %swap3A_190] {strides = array<i32>} : memref<128x128xf32, #tpu.memory_space<vmem>>, vector<1x16xf32>,
      %swap3A_192 = vector.shape_cast %swap3A_191 : vector<1x16xf32> to vector<16xf32>
      %swap3A_193 = vector.shape_cast %broadcast_in_dim3A_188 : vector<16xf32> to vector<1x16xf32>
      tpu.vector_store %arg13[%swap3A_189, %swap3A_190], %swap3A_193 {strides = array<i32>} : memref<128x128xf32, #tpu.memory_space<vmem>>, vector<1x16xf32>,
      %broadcast_in_dim3A_194 = arith.constant 0.000000e+00 : f32
      %broadcast_in_dim3A_195 = vector.broadcast %broadcast_in_dim3A_194 : f32 to vector<16xf32>
      %swap3A_196 = arith.index_cast %scan3A_164 : i32 to index
      %swap3A_197 = arith.constant 64 : index
      %swap3A_198 = tpu.vector_load %arg13[%swap3A_196, %swap3A_197] {strides = array<i32>} : memref<128x128xf32, #tpu.memory_space<vmem>>, vector<1x16xf32>,
      %swap3A_199 = vector.shape_cast %swap3A_198 : vector<1x16xf32> to vector<16xf32>
      %swap3A_200 = vector.shape_cast %broadcast_in_dim3A_195 : vector<16xf32> to vector<1x16xf32>
      tpu.vector_store %arg13[%swap3A_196, %swap3A_197], %swap3A_200 {strides = array<i32>} : memref<128x128xf32, #tpu.memory_space<vmem>>, vector<1x16xf32>,
      %broadcast_in_dim3A_201 = arith.constant 0.000000e+00 : f32
      %broadcast_in_dim3A_202 = vector.broadcast %broadcast_in_dim3A_201 : f32 to vector<16xf32>
      %swap3A_203 = arith.index_cast %scan3A_164 : i32 to index
      %swap3A_204 = arith.constant 80 : index
      %swap3A_205 = tpu.vector_load %arg13[%swap3A_203, %swap3A_204] {strides = array<i32>} : memref<128x128xf32, #tpu.memory_space<vmem>>, vector<1x16xf32>,
      %swap3A_206 = vector.shape_cast %swap3A_205 : vector<1x16xf32> to vector<16xf32>
      %swap3A_207 = vector.shape_cast %broadcast_in_dim3A_202 : vector<16xf32> to vector<1x16xf32>
      tpu.vector_store %arg13[%swap3A_203, %swap3A_204], %swap3A_207 {strides = array<i32>} : memref<128x128xf32, #tpu.memory_space<vmem>>, vector<1x16xf32>,
      %broadcast_in_dim3A_208 = arith.constant 0.000000e+00 : f32
      %broadcast_in_dim3A_209 = vector.broadcast %broadcast_in_dim3A_208 : f32 to vector<16xf32>
      %swap3A_210 = arith.index_cast %scan3A_164 : i32 to index
      %swap3A_211 = arith.constant 96 : index
      %swap3A_212 = tpu.vector_load %arg13[%swap3A_210, %swap3A_211] {strides = array<i32>} : memref<128x128xf32, #tpu.memory_space<vmem>>, vector<1x16xf32>,
      %swap3A_213 = vector.shape_cast %swap3A_212 : vector<1x16xf32> to vector<16xf32>
      %swap3A_214 = vector.shape_cast %broadcast_in_dim3A_209 : vector<16xf32> to vector<1x16xf32>
      tpu.vector_store %arg13[%swap3A_210, %swap3A_211], %swap3A_214 {strides = array<i32>} : memref<128x128xf32, #tpu.memory_space<vmem>>, vector<1x16xf32>,
      %broadcast_in_dim3A_215 = arith.constant 0.000000e+00 : f32
      %broadcast_in_dim3A_216 = vector.broadcast %broadcast_in_dim3A_215 : f32 to vector<16xf32>
      %swap3A_217 = arith.index_cast %scan3A_164 : i32 to index
      %swap3A_218 = arith.constant 112 : index
      %swap3A_219 = tpu.vector_load %arg13[%swap3A_217, %swap3A_218] {strides = array<i32>} : memref<128x128xf32, #tpu.memory_space<vmem>>, vector<1x16xf32>,
      %swap3A_220 = vector.shape_cast %swap3A_219 : vector<1x16xf32> to vector<16xf32>
      %swap3A_221 = vector.shape_cast %broadcast_in_dim3A_216 : vector<16xf32> to vector<1x16xf32>
      tpu.vector_store %arg13[%swap3A_217, %swap3A_218], %swap3A_221 {strides = array<i32>} : memref<128x128xf32, #tpu.memory_space<vmem>>, vector<1x16xf32>,
      %scan3A_222 = arith.constant 0 : i32
      scf.yield %scan3A_222 : i32
    }
    %scan3A_151 = arith.constant 128 : i32
    %add3A_152 = arith.constant 0 : i32
    %add3A_153 = arith.addi %mul3A_2, %add3A_152 : i32
    "tpu.region"() ({
      %run_scoped3A = tpu.sem_alloc : memref<!tpu.dma_semaphore, #tpu.memory_space<semaphore_mem>>
      %dma_start3A_164 = arith.constant 0 : i32
      %dma_start3A_165 = tpu.memref_slice %arg25[%add3A_153, %dma_start3A_164] : memref<10240x128xf32, #tpu.memory_space<vmem_shared>> -> memref<128x128xf32, #tpu.memory_space<vmem_shared>>
      %dma_start3A_166 = arith.constant 0 : i32
      %dma_start3A_167 = tpu.memref_slice %arg25[%add3A_153, %dma_start3A_166] : memref<10240x128xf32, #tpu.memory_space<vmem_shared>> -> memref<128x128xf32, #tpu.memory_space<vmem_shared>>
      tpu.enqueue_dma source(%arg13 : memref<128x128xf32, #tpu.memory_space<vmem>>) target(%dma_start3A_167 : memref<128x128xf32, #tpu.memory_space<vmem_shared>>) target_semaphore(%run_scoped3A : memref<!tpu.dma_semaphore, #tpu.memory_space<semaphore_mem>>)
      %dma_wait3A_168 = arith.constant 0 : i32
      %dma_wait3A_169 = tpu.memref_slice %arg25[%add3A_153, %dma_wait3A_168] : memref<10240x128xf32, #tpu.memory_space<vmem_shared>> -> memref<128x128xf32, #tpu.memory_space<vmem_shared>>
      %dma_wait3A_170 = arith.constant 0 : i32
      %dma_wait3A_171 = tpu.memref_slice %arg25[%add3A_153, %dma_wait3A_170] : memref<10240x128xf32, #tpu.memory_space<vmem_shared>> -> memref<128x128xf32, #tpu.memory_space<vmem_shared>>
      tpu.wait_dma2 semaphore(%run_scoped3A : memref<!tpu.dma_semaphore, #tpu.memory_space<semaphore_mem>>) src(%arg13 : memref<128x128xf32, #tpu.memory_space<vmem>>) dst(%dma_wait3A_171 : memref<128x128xf32, #tpu.memory_space<vmem_shared>>)
      tpu.yield
    }) : () -> ()
    %add3A_154 = arith.constant 128 : i32
    %add3A_155 = arith.addi %mul3A_2, %add3A_154 : i32
    "tpu.region"() ({
      %run_scoped3A = tpu.sem_alloc : memref<!tpu.dma_semaphore, #tpu.memory_space<semaphore_mem>>
      %dma_start3A_164 = arith.constant 0 : i32
      %dma_start3A_165 = tpu.memref_slice %arg25[%add3A_155, %dma_start3A_164] : memref<10240x128xf32, #tpu.memory_space<vmem_shared>> -> memref<128x128xf32, #tpu.memory_space<vmem_shared>>
      %dma_start3A_166 = arith.constant 0 : i32
      %dma_start3A_167 = tpu.memref_slice %arg25[%add3A_155, %dma_start3A_166] : memref<10240x128xf32, #tpu.memory_space<vmem_shared>> -> memref<128x128xf32, #tpu.memory_space<vmem_shared>>
      tpu.enqueue_dma source(%arg13 : memref<128x128xf32, #tpu.memory_space<vmem>>) target(%dma_start3A_167 : memref<128x128xf32, #tpu.memory_space<vmem_shared>>) target_semaphore(%run_scoped3A : memref<!tpu.dma_semaphore, #tpu.memory_space<semaphore_mem>>)
      %dma_wait3A_168 = arith.constant 0 : i32
      %dma_wait3A_169 = tpu.memref_slice %arg25[%add3A_155, %dma_wait3A_168] : memref<10240x128xf32, #tpu.memory_space<vmem_shared>> -> memref<128x128xf32, #tpu.memory_space<vmem_shared>>
      %dma_wait3A_170 = arith.constant 0 : i32
      %dma_wait3A_171 = tpu.memref_slice %arg25[%add3A_155, %dma_wait3A_170] : memref<10240x128xf32, #tpu.memory_space<vmem_shared>> -> memref<128x128xf32, #tpu.memory_space<vmem_shared>>
      tpu.wait_dma2 semaphore(%run_scoped3A : memref<!tpu.dma_semaphore, #tpu.memory_space<semaphore_mem>>) src(%arg13 : memref<128x128xf32, #tpu.memory_space<vmem>>) dst(%dma_wait3A_171 : memref<128x128xf32, #tpu.memory_space<vmem_shared>>)
      tpu.yield
    }) : () -> ()
    %add3A_156 = arith.constant 256 : i32
    %add3A_157 = arith.addi %mul3A_2, %add3A_156 : i32
    "tpu.region"() ({
      %run_scoped3A = tpu.sem_alloc : memref<!tpu.dma_semaphore, #tpu.memory_space<semaphore_mem>>
      %dma_start3A_164 = arith.constant 0 : i32
      %dma_start3A_165 = tpu.memref_slice %arg25[%add3A_157, %dma_start3A_164] : memref<10240x128xf32, #tpu.memory_space<vmem_shared>> -> memref<128x128xf32, #tpu.memory_space<vmem_shared>>
      %dma_start3A_166 = arith.constant 0 : i32
      %dma_start3A_167 = tpu.memref_slice %arg25[%add3A_157, %dma_start3A_166] : memref<10240x128xf32, #tpu.memory_space<vmem_shared>> -> memref<128x128xf32, #tpu.memory_space<vmem_shared>>
      tpu.enqueue_dma source(%arg13 : memref<128x128xf32, #tpu.memory_space<vmem>>) target(%dma_start3A_167 : memref<128x128xf32, #tpu.memory_space<vmem_shared>>) target_semaphore(%run_scoped3A : memref<!tpu.dma_semaphore, #tpu.memory_space<semaphore_mem>>)
      %dma_wait3A_168 = arith.constant 0 : i32
      %dma_wait3A_169 = tpu.memref_slice %arg25[%add3A_157, %dma_wait3A_168] : memref<10240x128xf32, #tpu.memory_space<vmem_shared>> -> memref<128x128xf32, #tpu.memory_space<vmem_shared>>
      %dma_wait3A_170 = arith.constant 0 : i32
      %dma_wait3A_171 = tpu.memref_slice %arg25[%add3A_157, %dma_wait3A_170] : memref<10240x128xf32, #tpu.memory_space<vmem_shared>> -> memref<128x128xf32, #tpu.memory_space<vmem_shared>>
      tpu.wait_dma2 semaphore(%run_scoped3A : memref<!tpu.dma_semaphore, #tpu.memory_space<semaphore_mem>>) src(%arg13 : memref<128x128xf32, #tpu.memory_space<vmem>>) dst(%dma_wait3A_171 : memref<128x128xf32, #tpu.memory_space<vmem_shared>>)
      tpu.yield
    }) : () -> ()
    %add3A_158 = arith.constant 384 : i32
    %add3A_159 = arith.addi %mul3A_2, %add3A_158 : i32
    "tpu.region"() ({
      %run_scoped3A = tpu.sem_alloc : memref<!tpu.dma_semaphore, #tpu.memory_space<semaphore_mem>>
      %dma_start3A_164 = arith.constant 0 : i32
      %dma_start3A_165 = tpu.memref_slice %arg25[%add3A_159, %dma_start3A_164] : memref<10240x128xf32, #tpu.memory_space<vmem_shared>> -> memref<128x128xf32, #tpu.memory_space<vmem_shared>>
      %dma_start3A_166 = arith.constant 0 : i32
      %dma_start3A_167 = tpu.memref_slice %arg25[%add3A_159, %dma_start3A_166] : memref<10240x128xf32, #tpu.memory_space<vmem_shared>> -> memref<128x128xf32, #tpu.memory_space<vmem_shared>>
      tpu.enqueue_dma source(%arg13 : memref<128x128xf32, #tpu.memory_space<vmem>>) target(%dma_start3A_167 : memref<128x128xf32, #tpu.memory_space<vmem_shared>>) target_semaphore(%run_scoped3A : memref<!tpu.dma_semaphore, #tpu.memory_space<semaphore_mem>>)
      %dma_wait3A_168 = arith.constant 0 : i32
      %dma_wait3A_169 = tpu.memref_slice %arg25[%add3A_159, %dma_wait3A_168] : memref<10240x128xf32, #tpu.memory_space<vmem_shared>> -> memref<128x128xf32, #tpu.memory_space<vmem_shared>>
      %dma_wait3A_170 = arith.constant 0 : i32
      %dma_wait3A_171 = tpu.memref_slice %arg25[%add3A_159, %dma_wait3A_170] : memref<10240x128xf32, #tpu.memory_space<vmem_shared>> -> memref<128x128xf32, #tpu.memory_space<vmem_shared>>
      tpu.wait_dma2 semaphore(%run_scoped3A : memref<!tpu.dma_semaphore, #tpu.memory_space<semaphore_mem>>) src(%arg13 : memref<128x128xf32, #tpu.memory_space<vmem>>) dst(%dma_wait3A_171 : memref<128x128xf32, #tpu.memory_space<vmem_shared>>)
      tpu.yield
    }) : () -> ()
    %add3A_160 = arith.constant 512 : i32
    %add3A_161 = arith.addi %mul3A_2, %add3A_160 : i32
    "tpu.region"() ({
      %run_scoped3A = tpu.sem_alloc : memref<!tpu.dma_semaphore, #tpu.memory_space<semaphore_mem>>
      %dma_start3A_164 = arith.constant 0 : i32
      %dma_start3A_165 = tpu.memref_slice %arg25[%add3A_161, %dma_start3A_164] : memref<10240x128xf32, #tpu.memory_space<vmem_shared>> -> memref<128x128xf32, #tpu.memory_space<vmem_shared>>
      %dma_start3A_166 = arith.constant 0 : i32
      %dma_start3A_167 = tpu.memref_slice %arg25[%add3A_161, %dma_start3A_166] : memref<10240x128xf32, #tpu.memory_space<vmem_shared>> -> memref<128x128xf32, #tpu.memory_space<vmem_shared>>
      tpu.enqueue_dma source(%arg13 : memref<128x128xf32, #tpu.memory_space<vmem>>) target(%dma_start3A_167 : memref<128x128xf32, #tpu.memory_space<vmem_shared>>) target_semaphore(%run_scoped3A : memref<!tpu.dma_semaphore, #tpu.memory_space<semaphore_mem>>)
      %dma_wait3A_168 = arith.constant 0 : i32
      %dma_wait3A_169 = tpu.memref_slice %arg25[%add3A_161, %dma_wait3A_168] : memref<10240x128xf32, #tpu.memory_space<vmem_shared>> -> memref<128x128xf32, #tpu.memory_space<vmem_shared>>
      %dma_wait3A_170 = arith.constant 0 : i32
      %dma_wait3A_171 = tpu.memref_slice %arg25[%add3A_161, %dma_wait3A_170] : memref<10240x128xf32, #tpu.memory_space<vmem_shared>> -> memref<128x128xf32, #tpu.memory_space<vmem_shared>>
      tpu.wait_dma2 semaphore(%run_scoped3A : memref<!tpu.dma_semaphore, #tpu.memory_space<semaphore_mem>>) src(%arg13 : memref<128x128xf32, #tpu.memory_space<vmem>>) dst(%dma_wait3A_171 : memref<128x128xf32, #tpu.memory_space<vmem_shared>>)
      tpu.yield
    }) : () -> ()
    %barrier3A_162 = arith.constant 0 : index
    tpu.barrier barrier_id(%barrier3A_162)
    %barrier3A_163 = arith.constant 0 : index
    tpu.barrier barrier_id(%barrier3A_163)
    "tpu.region"() ({
      %run_scoped3A = tpu.sem_alloc : memref<!tpu.dma_semaphore, #tpu.memory_space<semaphore_mem>>
      %dma_start3A_164 = arith.constant 0 : i32
      %dma_start3A_165 = tpu.memref_slice %arg7[%add3A_5, %dma_start3A_164] : memref<20480x128xf32, #tpu.memory_space<hbm>> -> memref<640x128xf32, #tpu.memory_space<hbm>>
      %dma_start3A_166 = arith.constant 0 : i32
      %dma_start3A_167 = tpu.memref_slice %arg25[%mul3A_2, %dma_start3A_166] : memref<10240x128xf32, #tpu.memory_space<vmem_shared>> -> memref<640x128xf32, #tpu.memory_space<vmem_shared>>
      tpu.enqueue_dma source(%dma_start3A_167 : memref<640x128xf32, #tpu.memory_space<vmem_shared>>) target(%dma_start3A_165 : memref<640x128xf32, #tpu.memory_space<hbm>>) target_semaphore(%run_scoped3A : memref<!tpu.dma_semaphore, #tpu.memory_space<semaphore_mem>>)
      %dma_wait3A_168 = arith.constant 0 : i32
      %dma_wait3A_169 = tpu.memref_slice %arg7[%add3A_5, %dma_wait3A_168] : memref<20480x128xf32, #tpu.memory_space<hbm>> -> memref<640x128xf32, #tpu.memory_space<hbm>>
      %dma_wait3A_170 = arith.constant 0 : i32
      %dma_wait3A_171 = tpu.memref_slice %arg25[%mul3A_2, %dma_wait3A_170] : memref<10240x128xf32, #tpu.memory_space<vmem_shared>> -> memref<640x128xf32, #tpu.memory_space<vmem_shared>>
      tpu.wait_dma2 semaphore(%run_scoped3A : memref<!tpu.dma_semaphore, #tpu.memory_space<semaphore_mem>>) src(%dma_wait3A_171 : memref<640x128xf32, #tpu.memory_space<vmem_shared>>) dst(%dma_wait3A_169 : memref<640x128xf32, #tpu.memory_space<hbm>>)
      tpu.yield
    }) : () -> ()
    return
  }
}

module attributes {stable_mosaic.version = 14 : i64} {
  func.func @_final_body(%arg0: i32, %arg1: memref<1024x128xf32, #tpu.memory_space<vmem>>, %arg2: memref<1024x128xf32, #tpu.memory_space<vmem>>, %arg3: memref<2x1024xf32, #tpu.memory_space<vmem>>, %arg4: memref<128x128xf32, #tpu.memory_space<vmem>>, %arg5: memref<128x128xf32, #tpu.memory_space<vmem>>, %arg6: memref<1x128xf32, #tpu.memory_space<vmem>>, %arg7: memref<1x128xf32, #tpu.memory_space<vmem>>, %arg8: memref<1024x128xf32, #tpu.memory_space<vmem>>) attributes {dimension_semantics = [#tpu.dimension_semantics<arbitrary>], iteration_bounds = array<i64: 10>, scalar_prefetch = 0 : i64, scratch_operands = 0 : i64, tpu.core_type = #tpu.core_type<tc>, window_params = [{transform_indices = @transform_0, window_bounds = array<i64: 1024, 128>}, {transform_indices = @transform_1, window_bounds = array<i64: 1024, 128>}, {transform_indices = @transform_2, window_bounds = array<i64: 2, 1024>}, {pipeline_mode = #tpu.pipeline_mode<synchronous>, transform_indices = @transform_3, window_bounds = array<i64: 128, 128>}, {pipeline_mode = #tpu.pipeline_mode<synchronous>, transform_indices = @transform_4, window_bounds = array<i64: 128, 128>}, {pipeline_mode = #tpu.pipeline_mode<synchronous>, transform_indices = @transform_5, window_bounds = array<i64: 1, 128>}, {pipeline_mode = #tpu.pipeline_mode<synchronous>, transform_indices = @transform_6, window_bounds = array<i64: 1, 128>}, {transform_indices = @transform_7, window_bounds = array<i64: 1024, 128>}]} {
    %get3A = arith.constant 0 : index
    %get3A_0 = arith.constant 0 : index
    %get3A_1 = vector.load %arg4[%get3A, %get3A_0] : memref<128x128xf32, #tpu.memory_space<vmem>>, vector<128x128xf32>
    %get3A_2 = arith.constant 0 : index
    %get3A_3 = arith.constant 0 : index
    %get3A_4 = vector.load %arg5[%get3A_2, %get3A_3] : memref<128x128xf32, #tpu.memory_space<vmem>>, vector<128x128xf32>
    %dot_general3A = arith.constant dense<0.000000e+00> : vector<128x128xf32>
    %dot_general3A_5 = tpu.matmul %get3A_1, %get3A_4, %dot_general3A {dimension_numbers = #tpu.dot_dimension_numbers<[1], [0], [0], [1], [0, 0, 1, 1], [], []>, precision = #tpu.contract_precision<fp32>, transpose_lhs_hint = false} : vector<128x128xf32>, vector<128x128xf32>, vector<128x128xf32> -> vector<128x128xf32>
    %get3A_6 = arith.constant 0 : index
    %get3A_7 = arith.constant 0 : index
    %get3A_8 = vector.load %arg6[%get3A_6, %get3A_7] : memref<1x128xf32, #tpu.memory_space<vmem>>, vector<1x128xf32>
    %get3A_9 = arith.constant 0 : index
    %get3A_10 = arith.constant 0 : index
    %get3A_11 = vector.load %arg5[%get3A_9, %get3A_10] : memref<128x128xf32, #tpu.memory_space<vmem>>, vector<128x128xf32>
    %dot_general3A_12 = arith.constant dense<0.000000e+00> : vector<1x128xf32>
    %dot_general3A_13 = tpu.matmul %get3A_8, %get3A_11, %dot_general3A_12 {dimension_numbers = #tpu.dot_dimension_numbers<[1], [0], [0], [1], [0, 0, 1, 1], [], []>, precision = #tpu.contract_precision<fp32>, transpose_lhs_hint = false} : vector<1x128xf32>, vector<128x128xf32>, vector<1x128xf32> -> vector<1x128xf32>
    %get3A_14 = arith.constant 0 : index
    %get3A_15 = arith.constant 0 : index
    %get3A_16 = vector.load %arg1[%get3A_14, %get3A_15] : memref<1024x128xf32, #tpu.memory_space<vmem>>, vector<1024x128xf32>
    %get3A_17 = arith.constant 0 : index
    %get3A_18 = arith.constant 0 : index
    %get3A_19 = vector.load %arg2[%get3A_17, %get3A_18] : memref<1024x128xf32, #tpu.memory_space<vmem>>, vector<1024x128xf32>
    %add3A = arith.addf %get3A_16, %get3A_19 : vector<1024x128xf32>
    %get3A_20 = arith.constant 0 : index
    %get3A_21 = arith.constant 0 : index
    %get3A_22 = vector.load %arg3[%get3A_20, %get3A_21] : memref<2x1024xf32, #tpu.memory_space<vmem>>, vector<1x1024xf32>
    %get3A_23 = vector.shape_cast %get3A_22 : vector<1x1024xf32> to vector<1024xf32>
    %get3A_24 = arith.constant 1 : index
    %get3A_25 = arith.constant 0 : index
    %get3A_26 = vector.load %arg3[%get3A_24, %get3A_25] : memref<2x1024xf32, #tpu.memory_space<vmem>>, vector<1x1024xf32>
    %get3A_27 = vector.shape_cast %get3A_26 : vector<1x1024xf32> to vector<1024xf32>
    %add3A_28 = arith.addf %get3A_23, %get3A_27 : vector<1024xf32>
    %dot_general3A_29 = arith.constant dense<0.000000e+00> : vector<1024x128xf32>
    %dot_general3A_30 = tpu.matmul %add3A, %dot_general3A_5, %dot_general3A_29 {dimension_numbers = #tpu.dot_dimension_numbers<[1], [0], [0], [1], [0, 0, 1, 1], [], []>, precision = #tpu.contract_precision<fp32>, transpose_lhs_hint = false} : vector<1024x128xf32>, vector<128x128xf32>, vector<1024x128xf32> -> vector<1024x128xf32>
    %broadcast_in_dim3A = vector.shape_cast %add3A_28 : vector<1024xf32> to vector<1024x1xf32>
    %mul3A = vector.broadcast %broadcast_in_dim3A : vector<1024x1xf32> to vector<1024x128xf32>
    %mul3A_31 = vector.broadcast %dot_general3A_13 : vector<1x128xf32> to vector<1024x128xf32>
    %mul3A_32 = arith.mulf %mul3A, %mul3A_31 : vector<1024x128xf32>
    %add3A_33 = arith.addf %dot_general3A_30, %mul3A_32 : vector<1024x128xf32>
    %get3A_34 = arith.constant 0 : index
    %get3A_35 = arith.constant 0 : index
    %get3A_36 = vector.load %arg7[%get3A_34, %get3A_35] : memref<1x128xf32, #tpu.memory_space<vmem>>, vector<1x128xf32>
    %add3A_37 = vector.broadcast %get3A_36 : vector<1x128xf32> to vector<1024x128xf32>
    %add3A_38 = arith.addf %add3A_33, %add3A_37 : vector<1024x128xf32>
    %swap3A = arith.constant 0 : index
    %swap3A_39 = arith.constant 0 : index
    %swap3A_40 = vector.load %arg8[%swap3A, %swap3A_39] : memref<1024x128xf32, #tpu.memory_space<vmem>>, vector<1024x128xf32>
    tpu.vector_store %arg8[%swap3A, %swap3A_39], %add3A_38 {strides = array<i32>} : memref<1024x128xf32, #tpu.memory_space<vmem>>, vector<1024x128xf32>,
    return
  }
  func.func @transform_0(%arg0: i32) -> (i32, i32) {
    %c0_i32 = arith.constant 0 : i32
    %c0_i32_0 = arith.constant 0 : i32
    return %arg0, %c0_i32 : i32, i32
  }
  func.func @transform_1(%arg0: i32) -> (i32, i32) {
    %add3A = arith.constant 10 : i32
    %add3A_0 = arith.addi %add3A, %arg0 : i32
    %c0_i32 = arith.constant 0 : i32
    %c0_i32_1 = arith.constant 0 : i32
    return %add3A_0, %c0_i32 : i32, i32
  }
  func.func @transform_2(%arg0: i32) -> (i32, i32) {
    %c0_i32 = arith.constant 0 : i32
    %c0_i32_0 = arith.constant 0 : i32
    return %c0_i32, %arg0 : i32, i32
  }
  func.func @transform_3(%arg0: i32) -> (i32, i32) {
    %c0_i32 = arith.constant 0 : i32
    %c0_i32_0 = arith.constant 0 : i32
    %c0_i32_1 = arith.constant 0 : i32
    return %c0_i32, %c0_i32_0 : i32, i32
  }
  func.func @transform_4(%arg0: i32) -> (i32, i32) {
    %c0_i32 = arith.constant 0 : i32
    %c0_i32_0 = arith.constant 0 : i32
    %c0_i32_1 = arith.constant 0 : i32
    return %c0_i32, %c0_i32_0 : i32, i32
  }
  func.func @transform_5(%arg0: i32) -> (i32, i32) {
    %c0_i32 = arith.constant 0 : i32
    %c0_i32_0 = arith.constant 0 : i32
    %c0_i32_1 = arith.constant 0 : i32
    return %c0_i32, %c0_i32_0 : i32, i32
  }
  func.func @transform_6(%arg0: i32) -> (i32, i32) {
    %c0_i32 = arith.constant 0 : i32
    %c0_i32_0 = arith.constant 0 : i32
    %c0_i32_1 = arith.constant 0 : i32
    return %c0_i32, %c0_i32_0 : i32, i32
  }
  func.func @transform_7(%arg0: i32) -> (i32, i32) {
    %c0_i32 = arith.constant 0 : i32
    %c0_i32_0 = arith.constant 0 : i32
    return %arg0, %c0_i32 : i32, i32
  }
}

</mosaic_0001>

<sc_bundles>
// kernel: kernel.4.cloned.1.call-start
scs
__scs_entry_jumppad:
0x0: {  	(pc) =	sbr.rel $0x88, $3  }
0x1: {  	(tag) =	ssettag $0x0;
	lr =	simm.s32 $0x1  }
0x2: {  	[smem:$0x3F9B] =	sst lr;
	_ =	strace $0xD0000000  }
0x3: {  	_ = 	snop  }
0x4: {  	_ = 	snop  }
0x5: {  	_ = 	snop  }
0x6: {  	_ = 	snop  }
0x7: {  	_ = 	snop  }
__scs_overlays_trampoline_lowered:
0x8: {  	[smem:$0x3FAA] =	sst s0  }
0x9: {  	[smem:$0x3FAB] =	sst s1  }
0xa: {  	[smem:$0x3FAC] =	sst s2  }
0xb: {  	[smem:$0x3FAD] =	sst s3  }
0xc: {  	[smem:$0x3FAE] =	sst s4  }
0xd: {  	[smem:$0x3FAF] =	sst s5  }
0xe: {  	[smem:$0x3FB0] =	sst s6  }
0xf: {  	[smem:$0x3FB1] =	sst s7  }
0x10: {  	[smem:$0x3FB2] =	sst s8  }
0x11: {  	[smem:$0x3FB3] =	sst s9;
	s0 =	simm.s32 @!p0 $0x0  }
0x12: {  	s1 =	sld [smem:$0x3F99];
	s0 =	simm.s32 @p0 $0x1  }
0x13: {  	[smem:$0x3FB4] =	sst s0;
	s0 =	simm.s32 @!p1 $0x0  }
0x14: {  	s2 =	sld [smem:$0x3F98];
	s0 =	simm.s32 @p1 $0x1  }
0x15: {  	[smem:$0x3FB5] =	sst s0;
	s0 =	simm.s32 @!p2 $0x0  }
0x16: {  	s3 =	sld [smem:$0x3FDB];
	s0 =	simm.s32 @p2 $0x1  }
0x17: {  	s4 =	simm.s32 $0x1BF5;
	[smem:$0x3FB7] =	sst s0  }
0x18: {  	s0 =	sld [smem:$0x3F9A];
	_ =	swait.ge [sflag:s4], $0x0  }
0x19: {  	s7 =	sld [smem:$0x3F9B]  }
0x1a: {  	s8 =	sadd.s32 $0xFFFFE003, lr  }
0x1b: {  	s9 =	sadd.s32 $0xFFFFFEF7, lr;
	s5 =	simm.s32 $0xFFFFFFFF;
	p2 =	slt.u32 s8, $0xFFFFF086  }
0x1c: {  	p1 =	slt.u32 s9, $0xF7A;
	s5 =	simm.s32 @!p2 $0x0  }
0x1d: {  	s5 =	simm.s32 @p1 $0x1;
	p0 =	seq.s32 s7, s2  }
0x1e: {  	s7 =	smul.u32 @!p0 $0xF7A, s2;
	p2 =	seq.s32 @!p0 s5, $0x0  }
0x1f: {  	s9 =	smul.u32 $0xF7A, s1;
	s8 =	simm.s32 @!p0 $0x1BF5;
	p2 =	por !p2, p0  }
0x20: {  	[sflag:s8] =	ssyncset.s32 @!p0 $0xFFFFF086;
	s6 =	sadd.s32 @!p0 s3, s7;
	s7 =	simm.s32 @!p0 $0x108  }
0x21: {  	s3 =	sadd.s32 s3, s9;
	s6 =	sadd.s32 @!p0 $0x88, s6;
	s7 =	simm.s32 @p2 $0x1082  }
0x22: {  	[simem:s7], [sflag:s8] =	dma.local @!p0 [hbm:s6], $0xF7A  }
0x23: {  	s9 =	sor.u32 $0xD0000000, s2;
	s6 =	simm.s32 $0x108;
	_ =	swait.ge @!p0 [sflag:s8], $0x0  }
0x24: {  	s3 =	sadd.s32 $0x88, s3;
	s6 =	simm.s32 @!p1 $0x1082;
	[sflag:s4] =	ssyncset.s32 $0xFFFFF086  }
0x25: {  	[simem:s6], [sflag:s4] =	dma.local [hbm:s3], $0xF7A  }
0x26: {  	[smem:$0x3F9B] =	sst s1;
	(tag) =	ssettag s2;
	_ =	strace s9  }
0x27: {  	s1 =	sld [smem:$0x3FAB]  }
0x28: {  	s2 =	sld [smem:$0x3FAC]  }
0x29: {  	s4 =	sld [smem:$0x3FAE]  }
0x2a: {  	p0 =	seq.s32 s5, $0x0;
	s5 =	sld [smem:$0x3FAF]  }
0x2b: {  	s6 =	sld [smem:$0x3FB0]  }
0x2c: {  	s7 =	sld [smem:$0x3FB1]  }
0x2d: {  	s3 =	simm.s32 $0x108;
	s8 =	sld [smem:$0x3FB2]  }
0x2e: {  	s3 =	simm.s32 @!p0 $0x1082;
	s9 =	sld [smem:$0x3FB3]  }
0x2f: {  	lr =	sadd.s32 s0, s3;
	s0 =	sld [smem:$0x3FAA]  }
0x30: {  	s3 =	sld [smem:$0x3FAD]  }
0x31: {  	[smem:$0x3FB6] =	sst s10  }
0x32: {  	s10 =	sld [smem:$0x3FB4];
	_ =	sdelay $0x3  }
0x33: {  	p0 =	seq.s32 s10, $0x1;
	s10 =	sld [smem:$0x3FB6];
	_ =	sdelay $0x3  }
0x34: {  	[smem:$0x3FB6] =	sst s10  }
0x35: {  	s10 =	sld [smem:$0x3FB5];
	_ =	sdelay $0x3  }
0x36: {  	p1 =	seq.s32 s10, $0x1;
	s10 =	sld [smem:$0x3FB6];
	_ =	sdelay $0x3  }
0x37: {  	[smem:$0x3FB6] =	sst s10  }
0x38: {  	s10 =	sld [smem:$0x3FB7]  }
0x39: {  	_ = 	snop;
	(pc) =	sbr.ind lr, $3  }
0x3a: {  	_ = 	snop  }
0x3b: {  	_ = 	snop  }
0x3c: {  	p2 =	seq.s32 s10, $0x1;
	s10 =	sld [smem:$0x3FB6]  }
0x3d: {  	_ =	shalt  }
0x3e: {  	_ =	shalt  }
0x3f: {  	_ =	shalt  }
0x40: {  	_ =	shalt  }
0x41: {  	_ =	shalt  }
0x42: {  	_ =	shalt  }
0x43: {  	_ =	shalt  }
0x44: {  	_ =	shalt  }
0x45: {  	_ =	shalt  }
0x46: {  	_ =	shalt  }
0x47: {  	_ =	shalt  }
0x48: {  	_ =	shalt  }
0x49: {  	_ =	shalt  }
0x4a: {  	_ =	shalt  }
0x4b: {  	_ =	shalt  }
0x4c: {  	_ =	shalt  }
0x4d: {  	_ =	shalt  }
0x4e: {  	_ =	shalt  }
0x4f: {  	_ =	shalt  }
0x50: {  	_ =	shalt  }
0x51: {  	_ =	shalt  }
0x52: {  	_ =	shalt  }
0x53: {  	_ =	shalt  }
0x54: {  	_ =	shalt  }
0x55: {  	_ =	shalt  }
0x56: {  	_ =	shalt  }
0x57: {  	_ =	shalt  }
0x58: {  	_ =	shalt  }
0x59: {  	_ =	shalt  }
0x5a: {  	_ =	shalt  }
0x5b: {  	_ =	shalt  }
0x5c: {  	_ =	shalt  }
0x5d: {  	_ =	shalt  }
0x5e: {  	_ =	shalt  }
0x5f: {  	_ =	shalt  }
0x60: {  	_ =	shalt  }
0x61: {  	_ =	shalt  }
0x62: {  	_ =	shalt  }
0x63: {  	_ =	shalt  }
0x64: {  	_ =	shalt  }
0x65: {  	_ =	shalt  }
0x66: {  	_ =	shalt  }
0x67: {  	_ =	shalt  }
0x68: {  	_ =	shalt  }
0x69: {  	_ =	shalt  }
0x6a: {  	_ =	shalt  }
0x6b: {  	_ =	shalt  }
0x6c: {  	_ =	shalt  }
0x6d: {  	_ =	shalt  }
0x6e: {  	_ =	shalt  }
0x6f: {  	_ =	shalt  }
0x70: {  	_ =	shalt  }
0x71: {  	_ =	shalt  }
0x72: {  	_ =	shalt  }
0x73: {  	_ =	shalt  }
0x74: {  	_ =	shalt  }
0x75: {  	_ =	shalt  }
0x76: {  	_ =	shalt  }
0x77: {  	_ =	shalt  }
0x78: {  	_ =	shalt  }
0x79: {  	_ =	shalt  }
0x7a: {  	_ =	shalt  }
0x7b: {  	_ =	shalt  }
0x7c: {  	_ =	shalt  }
0x7d: {  	_ =	shalt  }
0x7e: {  	_ =	shalt  }
0x7f: {  	_ =	shalt  }
0x80: {  	_ =	shalt  }
0x81: {  	_ =	shalt  }
0x82: {  	_ =	shalt  }
0x83: {  	_ =	shalt  }
0x84: {  	_ =	shalt  }
0x85: {  	_ =	shalt  }
0x86: {  	_ =	shalt  }
0x87: {  	_ =	shalt  }
.Lfunc_end0:
.L_simem_size_0:
called_computation_lowered:
.L_overlay_start_0:
0x88: {  	s2 =	sld [smem:$0x3FD9]  }
0x89: {  	s3 =	sld [smem:$0x3FFE];
	_ =	sdelay $0x1  }
0x8a: {  	s1 =	srdreg.scid  }
0x8b: {  	s0 =	sand.u32 $0x1, s1  }
0x8c: {  	s16 =	sshll.u32 s0, $0xA;
	s2 =	sadd.s32 s3, s2  }
0x8d: {  	s2 =	sadd.s32 s2, s16  }
0x8e: {  	[smem:$0x3FC2] =	sst s2  }
0x8f: {  	_ = 	snop  }
0x90: {  	(tm) =	ssettm $0x1  }
0x91: {  	s17 =	sld [smem:$0x3FFB];
	_ =	sdelay $0x3  }
0x92: {  	_ =	strace s17  }
0x93: {  	s2 =	sld [smem:$0x3FFC];
	_ =	sdelay $0x3  }
0x94: {  	_ =	strace s2  }
0x95: {  	s2 =	sld [smem:$0x3FFD];
	_ =	sdelay $0x3  }
0x96: {  	_ =	strace s2  }
0x97: {  	_ =	strace $0x8FFFFFFF  }
0x98: {  	s18 =	sld [smem:$0x3FDB];
	_ =	sdelay $0x1  }
0x99: {  	s19 =	simm.s32 $_scs_section_size  }
0x9a: {  	s4 =	simm.s32 $_size__tile_overlayer_lowered;
	s5 =	simm.s32 $_tile_overlayer_lowered  }
0x9b: {  	s22 =	simm.s32 $0x1BFF;
	s21 =	sshll.u32 s5, $0x1;
	s2 =	sadd.s32 s19, s18  }
0x9c: {  	s6 =	simm.s32 $0x0;
	s20 =	sshll.u32 s4, $0x1;
	s4 =	sadd.s32 s21, s2  }
0x9d: {  	[timem:s6], [sflag:s22] =	dma.local [hbm:s4], s20  }
0x9e: {  	_ =	swait.ge [sflag:s22], s20  }
0x9f: {  	s3 =	ssub.s32 $0x0, s20;
	[sflag:s22] =	ssyncset.done $0x0  }
0xa0: {  	[sflag:s22] =	ssyncadd.s32 s3;
	_ =	sdelay $0x1  }
0xa1: {  	s23 =	simm.s32 $0x1B8B  }
0xa2: {  	_ =	swait.ge [sflag:s23], $0x1  }
0xa3: {  	[sflag:s23] =	ssyncset.done $0x0  }
0xa4: {  	s25 =	simm.s32 $0x1B8E;
	s24 =	sld [smem:$0x3FFE];
	[sflag:s23] =	ssyncadd.s32 $0xFFFFFFFF  }
0xa5: {  	s26 =	simm.s32 $execute0_lowered;
	[smem:$0x3FD2] =	sst s25  }
0xa6: {  	s4 =	sshll.u32 s26, $0x1;
	_ =	strace $0x80000046;
	[dreg:$0x1] =	wrdreg $0xFFFFFFFF  }
0xa7: {  	s28 =	simm.s32 $_size_execute0_lowered;
	s2 =	sadd.s32 s2, s4;
	[dreg:$0x0] =	wrdreg $0x0  }
0xa8: {  	s4 =	sshll.u32 s28, $0x1;
	[dreg:$0x2] =	wrdreg s2  }
0xa9: {  	[dreg:$0x3] =	wrdreg s4  }
0xaa: {  	[dreg:$0x4] =	wrdreg $0xC0  }
0xab: {  	_ =	task [dreg:s6], $0x5FFFF  }
0xac: {  	[dreg:$0x1] =	wrdreg $0xFFFFFFFF  }
0xad: {  	[dreg:$0x0] =	wrdreg $0x60  }
0xae: {  	[dreg:$0x2] =	wrdreg s24  }
0xaf: {  	[dreg:$0x3] =	wrdreg $0x85000  }
0xb0: {  	[dreg:$0x4] =	wrdreg $0x1C5000  }
0xb1: {  	[dreg:$0x5] =	wrdreg $0x9  }
0xb2: {  	_ =	task.clear_ibuf [dreg:s6], $0x6FFFF;
	_ =	strace $0x90000046  }
0xb3: {  	s29 =	simm.s32 $0x9;
	_ =	strace $0x80000048  }
0xb4: {  	_ =	swait.ge [sflag:s29], $0x1  }
0xb5: {  	[sflag:s29] =	ssyncadd.s32 $0xFFFFFFFF  }
0xb6: {  	_ =	strace $0x90000048  }
0xb7: {  	_ =	sfence  }
0xb8: {  	s30 =	sld [smem:$0x0];
	_ =	sdelay $0x2  }
0xb9: {  	s31 =	sshll.u32 s1, $0xD;
	s1 =	sshrl.u32 s1, $0x2  }
0xba: {  	s3 =	sand.u32 $0x4000, s31;
	s1 =	sadd.s32 s1, s30  }
0xbb: {  	s0 =	sor.u32 s3, s0;
	s1 =	sshll.u32 s1, $0x11  }
0xbc: {  	s0 =	sor.u32 s1, s0  }
0xbd: {  	s0 =	sadd.s32 $0x8F2B, s0  }
0xbe: {  	[sflag:s0] =	ssyncadd.remote.s32 $0x1  }
0xbf: {  	_ =	sfence.sel $0xFFFF  }
0xc0: {  	[dreg:$0x0] =	wrdreg $0xFFFFFFFF;
	(pc) =	sbr.abs _section_cstart, $3  }
0xc1: {  	[dreg:$0x1] =	wrdreg $0xFFFFFFFF  }
0xc2: {  	_ =	task.clear_ibuf [dreg:s6], $0x2FFFF;
	_ =	strace $0x9FFFFFFF  }
0xc3: {  	(tm) =	ssettm $0x7FFFFFFF  }
tec
execute0_lowered:
.L_overlay_start_1:
0x0: {  	(tag) =	ssettag $0x1  }
0x1: {  	s0 =	rddreg [dreg:$0x0]  }
0x2: {  	s2 =	rddreg [dreg:$0x1];
	s1 =	srdreg.scid  }
0x3: {  	s16 =	stileid.u32;
	s9 =	rddreg [dreg:$0x2]  }
0x4: {  	s3 =	simm.s32 $0x0;
	s28 =	simm.s32 $0x180;
	s29 =	simm.s32 $0x1  }
0x5: {  	s30 =	simm.s32 $0x2;
	s31 =	simm.s32 $0x3;
	s10 =	smul.u32 $0x280, s16  }
0x6: {  	s1 =	sand.u32 $0x1, s1;
	[smem:$0x7FF] =	sst s3;
	s6 =	smul.u32 $0x50000, s16  }
0x7: {  	s11 =	sadd.s32 $0xC00, s0;
	s12 =	sadd.s32 $0xAC00, s0;
	s4 =	smul.u32 $0x2800, s1  }
0x8: {  	_ =	strace $0x80000047;
	s17 =	ssub.s32 $0x2, s1;
	s7 =	sshll.u32 s1, $0x4  }
0x9: {  	s1 =	smul.u32 $0x500, s1;
	s18 =	sshrl.u32 s6, $0x2;
	s19 =	sshrl.u32 s17, $0x1  }
0xa: {  	s8 =	sor.u32 s16, s7;
	s9 =	sadd.s32 s10, s9;
	s16 =	smul.u32 $0x50, s16  }
0xb: {  	s4 =	sadd.s32 s10, s4;
	s14 =	ssub.s32 s17, s19;
	s15 =	smul.u32 $0x500, s8  }
0xc: {  	s5 =	sshll.u32 s4, $0x4;
	s4 =	sshrl.u32 s4, $0x3;
	s24 =	sadd.s32 s16, s1  }
0xd: {  	s17 =	smax.u32 s14, $0x1;
	s1 =	simm.s32 $0x4;
	s13 =	sadd.s32 s5, s0  }
0xe: {  	s0 =	sadd.s32 s4, s0;
	s4 =	sadd.s32 s18, s2;
	s20 =	sadd.s32 s11, s15  }
0xf: {  	s21 =	sor.u32 $0x10, s15;
	s15 =	sadd.s32 s12, s15;
	[dreg:$0x4] =	wrdreg s20  }
0x10: {  	s5 =	sadd.s32 $0x4000, s4;
	[dreg:$0x5] =	wrdreg s15;
	s22 =	sadd.s32 s11, s21  }
0x11: {  	s6 =	sadd.s32 $0x8000, s4;
	s10 =	sadd.s32 s12, s21;
	[dreg:$0x6] =	wrdreg s22  }
0x12: {  	s7 =	sadd.s32 $0xC000, s4;
	s23 =	sadd.s32 $0x14C00, s13;
	[dreg:$0x7] =	wrdreg s10  }
0x13: {  	s8 =	sadd.s32 $0x10000, s4;
	s0 =	sadd.s32 $0x64C00, s0;
	[dreg:$0x8] =	wrdreg s23  }
0x14: {  	s16 =	sadd.s32 $0x65600, s13;
	[dreg:$0x9] =	wrdreg s0;
	s0 =	sshll.u32 s24, $0x4  }
0x15: {  	s22 =	simm.s32 $0x200;
	s23 =	simm.s32 $0x7;
	s24 =	simm.s32 $0x5  }
0x16: {  	s10 =	simm.s32 $0x6;
	s25 =	sadd.s32 s0, s11;
	s26 =	sadd.s32 s0, s12  }
0x17: {  	s0 =	sor.u32 $0x20, s0;
	s18 =	sadd.s32 $0x30, s25;
	s19 =	sadd.s32 $0x30, s26  }
0x18: {  	s20 =	sadd.s32 s0, s11;
	s21 =	sadd.s32 s0, s12;
	s25 =	simm.s32 $0x100  }
0x19: {  	v0 =	vimm.f32 $0.0e+00;
	v1 =	vimm.f32 $1.000000000e+00;
	s26 =	simm.s32 $0x80;
	s0 =	simm.s32 $0x4200;
	s11 =	simm.s32 $0x0  }
.LBB2_1:
0x1a: {  	[tilespmem:$0x8200] =	vst v0  }
0x1b: {  	[tilespmem:$0x8210] =	vst v0  }
0x1c: {  	[tilespmem:$0x8220] =	vst v0  }
0x1d: {  	[tilespmem:$0x8230] =	vst v0  }
0x1e: {  	[tilespmem:$0x8240] =	vst v0  }
0x1f: {  	[tilespmem:$0x8250] =	vst v0  }
0x20: {  	[tilespmem:$0x8260] =	vst v0  }
0x21: {  	[tilespmem:$0x8270] =	vst v0  }
0x22: {  	[tilespmem:$0x8280] =	vst v0  }
0x23: {  	[tilespmem:$0x8290] =	vst v0  }
0x24: {  	[tilespmem:$0x82A0] =	vst v0  }
0x25: {  	[tilespmem:$0x82B0] =	vst v0  }
0x26: {  	[tilespmem:$0x82C0] =	vst v0  }
0x27: {  	[tilespmem:$0x82D0] =	vst v0  }
0x28: {  	[tilespmem:$0x82E0] =	vst v0  }
0x29: {  	[tilespmem:$0x82F0] =	vst v0  }
0x2a: {  	[tilespmem:$0x8300] =	vst v0  }
0x2b: {  	[tilespmem:$0x8310] =	vst v0  }
0x2c: {  	[tilespmem:$0x8320] =	vst v0  }
0x2d: {  	[tilespmem:$0x8330] =	vst v0  }
0x2e: {  	[tilespmem:$0x8340] =	vst v0  }
0x2f: {  	[tilespmem:$0x8350] =	vst v0  }
0x30: {  	[tilespmem:$0x8360] =	vst v0  }
0x31: {  	[tilespmem:$0x8370] =	vst v0  }
0x32: {  	[tilespmem:$0x8380] =	vst v0  }
0x33: {  	[tilespmem:$0x8390] =	vst v0  }
0x34: {  	[tilespmem:$0x83A0] =	vst v0  }
0x35: {  	[tilespmem:$0x83B0] =	vst v0  }
0x36: {  	[tilespmem:$0x83C0] =	vst v0  }
0x37: {  	[tilespmem:$0x83D0] =	vst v0  }
0x38: {  	[tilespmem:$0x83E0] =	vst v0  }
0x39: {  	[tilespmem:$0x83F0] =	vst v0  }
0x3a: {  	[tilespmem:$0x8400] =	vst v0  }
0x3b: {  	[tilespmem:$0x8410] =	vst v0  }
0x3c: {  	[tilespmem:$0x8420] =	vst v0  }
0x3d: {  	[tilespmem:$0x8430] =	vst v0  }
0x3e: {  	[tilespmem:$0x8440] =	vst v0  }
0x3f: {  	[tilespmem:$0x8450] =	vst v0  }
0x40: {  	[tilespmem:$0x8460] =	vst v0  }
0x41: {  	[tilespmem:$0x8470] =	vst v0  }
0x42: {  	[tilespmem:$0x8480] =	vst v1  }
0x43: {  	[tilespmem:$0x8490] =	vst v1  }
0x44: {  	[tilespmem:$0x84A0] =	vst v1  }
0x45: {  	[tilespmem:$0x84B0] =	vst v1  }
0x46: {  	[tilespmem:$0x84C0] =	vst v1  }
0x47: {  	[tilespmem:$0x84D0] =	vst v1  }
0x48: {  	[tilespmem:$0x84E0] =	vst v1  }
0x49: {  	[tilespmem:$0x84F0] =	vst v1;
	s12 =	simm.s32 $0x0;
	s13 =	simm.s32 $0x200  }
.LBB2_2:
0x4a: {  	p0 =	sne.s32 s13, $0xFE00;
	[tilespmem:s12+$0x270] =	vst v0  }
0x4b: {  	[tilespmem:s12+$0x200] =	vst v0  }
0x4c: {  	[tilespmem:s12+$0x210] =	vst v0  }
.Ltmp0:
0x4d: {  	[tilespmem:s12+$0x220] =	vst v0;
	(pc) =	sbr.rel @p0 .LBB2_2-.Ltmp0, $4  }
0x4e: {  	[tilespmem:s12+$0x230] =	vst v0  }
0x4f: {  	[tilespmem:s12+$0x240] =	vst v0  }
0x50: {  	[tilespmem:s12+$0x250] =	vst v0  }
0x51: {  	[tilespmem:s12+$0x260] =	vst v0;
	s12 =	sshra.s32 s13, $0x2;
	s13 =	sadd.s32 $0x200, s13  }
0x52: {  	[tilespmem:s12+$0x270] =	vst v0  }
0x53: {  	[tilespmem:s12+$0x200] =	vst v0  }
0x54: {  	[tilespmem:s12+$0x210] =	vst v0  }
0x55: {  	[tilespmem:s12+$0x220] =	vst v0  }
0x56: {  	[tilespmem:s12+$0x230] =	vst v0  }
0x57: {  	[tilespmem:s12+$0x240] =	vst v0  }
0x58: {  	[tilespmem:s12+$0x250] =	vst v0  }
0x59: {  	[tilespmem:s12+$0x260] =	vst v0  }
0x5a: {  	[spmem:s4] =	stream.linear.scatter [tilespmem:s22], [sflag:$0x7], $0x4000, $0x38;
	[tilespmem:$0x1C780] =	vst v63  }
0x5b: {  	_ =	swait.ge [sflag:s23], $0x4000  }
0x5c: {  	[sflag:s23] =	ssyncset.done $0x0  }
0x5d: {  	[sflag:s23] =	ssyncadd.s32 $0xFFFFC000  }
0x5e: {  	[spmem:s5] =	stream.linear.scatter [tilespmem:s22], [sflag:$0x7], $0x4000, $0x38;
	[tilespmem:$0x1C780] =	vst v63  }
0x5f: {  	_ =	swait.ge [sflag:s23], $0x4000  }
0x60: {  	[sflag:s23] =	ssyncset.done $0x0  }
0x61: {  	[sflag:s23] =	ssyncadd.s32 $0xFFFFC000  }
0x62: {  	[spmem:s6] =	stream.linear.scatter [tilespmem:s22], [sflag:$0x7], $0x4000, $0x38;
	[tilespmem:$0x1C780] =	vst v63  }
0x63: {  	_ =	swait.ge [sflag:s23], $0x4000  }
0x64: {  	[sflag:s23] =	ssyncset.done $0x0  }
0x65: {  	[sflag:s23] =	ssyncadd.s32 $0xFFFFC000  }
0x66: {  	[spmem:s7] =	stream.linear.scatter [tilespmem:s22], [sflag:$0x7], $0x4000, $0x38;
	[tilespmem:$0x1C780] =	vst v63  }
0x67: {  	_ =	swait.ge [sflag:s23], $0x4000  }
0x68: {  	[sflag:s23] =	ssyncset.done $0x0  }
0x69: {  	[sflag:s23] =	ssyncadd.s32 $0xFFFFC000  }
0x6a: {  	[spmem:s8] =	stream.linear.scatter [tilespmem:s22], [sflag:$0x7], $0x4000, $0x38;
	[tilespmem:$0x1C780] =	vst v63  }
0x6b: {  	_ =	swait.ge [sflag:s23], $0x4000  }
0x6c: {  	[sflag:s23] =	ssyncset.done $0x0  }
0x6d: {  	s14 =	simm.s32 $0x8200;
	[sflag:s23] =	ssyncadd.s32 $0xFFFFC000  }
0x6e: {  	[spmem:s9] =	stream.linear.scatter [tilespmem:s14], [sflag:$0x7], $0x280, $0x38;
	[tilespmem:$0x1C780] =	vst v63  }
0x6f: {  	_ =	swait.ge [sflag:s23], $0x280  }
0x70: {  	[sflag:s23] =	ssyncset.done $0x0  }
0x71: {  	[sflag:s23] =	ssyncadd.s32 $0xFFFFFD80  }
0x72: {  	[bflag:$0x0] =	sbarrier.arrive $0xFFFF  }
0x73: {  	s12 =	simm.s32 $0x0;
	s13 =	rddreg [dreg:$0x4]  }
0x74: {  	[tilespmem:s12], [sflag:$0x1] =	stream.linear.gather [hbm4b:s13+s12], $0x80, $0x38;
	[tilespmem:$0x1C780] =	vst v63  }
0x75: {  	s15 =	rddreg [dreg:$0x5]  }
0x76: {  	[tilespmem:s25], [sflag:$0x2] =	stream.linear.gather [hbm4b:s15+s12], $0x80, $0x38;
	[tilespmem:$0x1C780] =	vst v63  }
0x77: {  	s14 =	rddreg [dreg:$0x6]  }
0x78: {  	[tilespmem:s26], [sflag:$0x3] =	stream.linear.gather [hbm4b:s14+s12], $0x80, $0x38;
	[tilespmem:$0x1C780] =	vst v63  }
0x79: {  	s15 =	rddreg [dreg:$0x7]  }
0x7a: {  	[tilespmem:s28], [sflag:$0x4] =	stream.linear.gather [hbm4b:s15+s12], $0x80, $0x38;
	[tilespmem:$0x1C780] =	vst v63  }
0x7b: {  	_ =	swait.ge [sflag:s29], $0x80  }
0x7c: {  	[sflag:s29] =	ssyncset.done $0x0  }
0x7d: {  	[sflag:s29] =	ssyncadd.s32 $0xFFFFFF80  }
0x7e: {  	_ =	swait.ge [sflag:s30], $0x80  }
0x7f: {  	[sflag:s30] =	ssyncset.done $0x0  }
0x80: {  	[sflag:s30] =	ssyncadd.s32 $0xFFFFFF80  }
0x81: {  	[tilespmem:s22], [sflag:$0x5] =	stream.indirect.gather [spmem:s2], $0x80, s12, s26, $0xb8;
	[tilespmem:$0x1C780] =	vst v63  }
0x82: {  	_ =	swait.ge [sflag:s31], $0x80  }
0x83: {  	[sflag:s31] =	ssyncset.done $0x0  }
0x84: {  	[sflag:s31] =	ssyncadd.s32 $0xFFFFFF80  }
0x85: {  	_ =	swait.ge [sflag:s1], $0x80  }
0x86: {  	[sflag:s1] =	ssyncset.done $0x0  }
0x87: {  	[sflag:s1] =	ssyncadd.s32 $0xFFFFFF80  }
0x88: {  	[tilespmem:s0], [sflag:$0x6] =	stream.indirect.gather [spmem:s2], $0x80, s26, s26, $0xb8;
	[tilespmem:$0x1C780] =	vst v63  }
0x89: {  	_ =	swait.ge [sflag:s24], $0x4000  }
0x8a: {  	[sflag:s24] =	ssyncset.done $0x0  }
0x8b: {  	s13 =	sadd.s32 $0x0, s20;
	[sflag:s24] =	ssyncadd.s32 $0xFFFFC000  }
0x8c: {  	[tilespmem:s3], [sflag:$0x1] =	stream.linear.gather [hbm4b:s13+s3], $0x80, $0x38;
	[tilespmem:$0x1C780] =	vst v63  }
0x8d: {  	s14 =	sadd.s32 $0x0, s21  }
0x8e: {  	[tilespmem:s25], [sflag:$0x2] =	stream.linear.gather [hbm4b:s14+s3], $0x80, $0x38;
	[tilespmem:$0x1C780] =	vst v63  }
0x8f: {  	_ =	swait.ge [sflag:s29], $0x80  }
0x90: {  	[sflag:s29] =	ssyncset.done $0x0  }
0x91: {  	[sflag:s29] =	ssyncadd.s32 $0xFFFFFF80  }
0x92: {  	_ =	swait.ge [sflag:s30], $0x80  }
0x93: {  	[sflag:s30] =	ssyncset.done $0x0  }
0x94: {  	[sflag:s30] =	ssyncadd.s32 $0xFFFFFF80  }
0x95: {  	[tilespmem:s22], [sflag:$0x5] =	stream.indirect.gather [spmem:s2], $0x80, s3, s26, $0xb8;
	[tilespmem:$0x1C780] =	vst v63  }
0x96: {  	_ =	swait.ge [sflag:s10], $0x4000  }
0x97: {  	s15 =	sadd.s32 $0x0, s18;
	[sflag:s10] =	ssyncset.done $0x0  }
0x98: {  	s12 =	simm.s32 $0x20;
	s13 =	sadd.s32 $0x0, s19;
	[sflag:s10] =	ssyncadd.s32 $0xFFFFC000  }
0x99: {  	[tilespmem:s26], [sflag:$0x3] =	stream.linear.gather [hbm4b:s15+s3], $0x80, $0x38;
	[tilespmem:$0x1C780] =	vst v63  }
.LBB2_4:
0x9a: {  	[tilespmem:s28], [sflag:$0x4] =	stream.linear.gather [hbm4b:s13+s3], $0x80, $0x38;
	[tilespmem:$0x1C780] =	vst v63  }
0x9b: {  	s13 =	smov.u32 s12  }
0x9c: {  	p0 =	sne.s32 s12, $0x4C0;
	s12 =	sadd.s32 $0x20, s12;
	_ =	swait.ge [sflag:s31], $0x80  }
0x9d: {  	[sflag:s31] =	ssyncset.done $0x0  }
0x9e: {  	[sflag:s31] =	ssyncadd.s32 $0xFFFFFF80  }
0x9f: {  	_ =	swait.ge [sflag:s1], $0x80  }
0xa0: {  	[sflag:s1] =	ssyncset.done $0x0  }
0xa1: {  	[sflag:s1] =	ssyncadd.s32 $0xFFFFFF80  }
0xa2: {  	[tilespmem:s0], [sflag:$0x6] =	stream.indirect.gather [spmem:s2], $0x80, s26, s26, $0xb8;
	[tilespmem:$0x1C780] =	vst v63  }
0xa3: {  	_ =	swait.ge [sflag:s24], $0x4000  }
0xa4: {  	[sflag:s24] =	ssyncset.done $0x0  }
0xa5: {  	s14 =	sadd.s32 s13, s20;
	[sflag:s24] =	ssyncadd.s32 $0xFFFFC000  }
0xa6: {  	[tilespmem:s3], [sflag:$0x1] =	stream.linear.gather [hbm4b:s14+s3], $0x80, $0x38;
	[tilespmem:$0x1C780] =	vst v63  }
0xa7: {  	s14 =	sadd.s32 s13, s21  }
0xa8: {  	[tilespmem:s25], [sflag:$0x2] =	stream.linear.gather [hbm4b:s14+s3], $0x80, $0x38;
	[tilespmem:$0x1C780] =	vst v63  }
0xa9: {  	_ =	swait.ge [sflag:s29], $0x80  }
0xaa: {  	[sflag:s29] =	ssyncset.done $0x0  }
0xab: {  	[sflag:s29] =	ssyncadd.s32 $0xFFFFFF80  }
0xac: {  	_ =	swait.ge [sflag:s30], $0x80  }
0xad: {  	[sflag:s30] =	ssyncset.done $0x0  }
0xae: {  	[sflag:s30] =	ssyncadd.s32 $0xFFFFFF80  }
0xaf: {  	[tilespmem:s22], [sflag:$0x5] =	stream.indirect.gather [spmem:s2], $0x80, s3, s26, $0xb8;
	[tilespmem:$0x1C780] =	vst v63  }
.Ltmp1:
0xb0: {  	_ =	swait.ge [sflag:s10], $0x4000;
	(pc) =	sbr.rel @p0 .LBB2_4-.Ltmp1, $4  }
0xb1: {  	[sflag:s10] =	ssyncset.done $0x0  }
0xb2: {  	s14 =	sadd.s32 s13, s18;
	[sflag:s10] =	ssyncadd.s32 $0xFFFFC000  }
0xb3: {  	[tilespmem:s26], [sflag:$0x3] =	stream.linear.gather [hbm4b:s14+s3], $0x80, $0x38;
	[tilespmem:$0x1C780] =	vst v63  }
0xb4: {  	s13 =	sadd.s32 s13, s19  }
0xb5: {  	[tilespmem:s28], [sflag:$0x4] =	stream.linear.gather [hbm4b:s13+s3], $0x80, $0x38;
	[tilespmem:$0x1C780] =	vst v63  }
0xb6: {  	_ =	swait.ge [sflag:s31], $0x80  }
0xb7: {  	[sflag:s31] =	ssyncset.done $0x0  }
0xb8: {  	[sflag:s31] =	ssyncadd.s32 $0xFFFFFF80  }
0xb9: {  	_ =	swait.ge [sflag:s1], $0x80  }
0xba: {  	[sflag:s1] =	ssyncset.done $0x0  }
0xbb: {  	[sflag:s1] =	ssyncadd.s32 $0xFFFFFF80  }
0xbc: {  	[tilespmem:s0], [sflag:$0x6] =	stream.indirect.gather [spmem:s2], $0x80, s26, s26, $0xb8;
	[tilespmem:$0x1C780] =	vst v63  }
0xbd: {  	_ =	swait.ge [sflag:s24], $0x4000  }
0xbe: {  	[sflag:s24] =	ssyncset.done $0x0  }
0xbf: {  	[sflag:s24] =	ssyncadd.s32 $0xFFFFC000  }
0xc0: {  	_ =	swait.ge [sflag:s10], $0x4000  }
0xc1: {  	[sflag:s10] =	ssyncset.done $0x0  }
0xc2: {  	s12 =	stileid.u32;
	[sflag:s10] =	ssyncadd.s32 $0xFFFFC000  }
0xc3: {  	s12 =	sshll.u32 s12, $0x6;
	[bflag:$0x0] =	sbarrier.arrive $0xFFFF  }
0xc4: {  	s13 =	sshrl.u32 s4, $0x3;
	s12 =	sor.u32 $0x1C07, s12;
	s14 =	rddreg [dreg:$0x8]  }
0xc5: {  	[hbm:s14], [sflag:s12] =	dma.local [spmem:s13], $0x2800  }
0xc6: {  	_ =	swait.ge [sflag:s23], $0x2800  }
0xc7: {  	[sflag:s23] =	ssyncset.done $0x0  }
0xc8: {  	s14 =	sshrl.u32 s9, $0x3;
	s15 =	rddreg [dreg:$0x9];
	[sflag:s23] =	ssyncadd.s32 $0xFFFFD800  }
0xc9: {  	[hbm:s15], [sflag:s12] =	dma.local [spmem:s14], $0x50  }
0xca: {  	_ =	swait.ge [sflag:s23], $0x50  }
0xcb: {  	[sflag:s23] =	ssyncset.done $0x0  }
0xcc: {  	s14 =	simm.s32 $0x0;
	s15 =	simm.s32 $0x200;
	[sflag:s23] =	ssyncadd.s32 $0xFFFFFFB0  }
.LBB2_6:
0xcd: {  	p0 =	sne.s32 s15, $0xFE00;
	[tilespmem:s14+$0x270] =	vst v0  }
0xce: {  	[tilespmem:s14+$0x200] =	vst v0  }
0xcf: {  	[tilespmem:s14+$0x210] =	vst v0  }
.Ltmp2:
0xd0: {  	[tilespmem:s14+$0x220] =	vst v0;
	(pc) =	sbr.rel @p0 .LBB2_6-.Ltmp2, $4  }
0xd1: {  	[tilespmem:s14+$0x230] =	vst v0  }
0xd2: {  	[tilespmem:s14+$0x240] =	vst v0  }
0xd3: {  	[tilespmem:s14+$0x250] =	vst v0  }
0xd4: {  	[tilespmem:s14+$0x260] =	vst v0;
	s14 =	sshra.s32 s15, $0x2;
	s15 =	sadd.s32 $0x200, s15  }
0xd5: {  	[tilespmem:s14+$0x270] =	vst v0  }
0xd6: {  	[tilespmem:s14+$0x200] =	vst v0  }
0xd7: {  	[tilespmem:s14+$0x210] =	vst v0  }
0xd8: {  	[tilespmem:s14+$0x220] =	vst v0  }
0xd9: {  	[tilespmem:s14+$0x230] =	vst v0  }
0xda: {  	[tilespmem:s14+$0x240] =	vst v0  }
0xdb: {  	[tilespmem:s14+$0x250] =	vst v0  }
0xdc: {  	[tilespmem:s14+$0x260] =	vst v0  }
0xdd: {  	[spmem:s4] =	stream.linear.scatter [tilespmem:s22], [sflag:$0x7], $0x4000, $0x38;
	[tilespmem:$0x1C780] =	vst v63  }
0xde: {  	_ =	swait.ge [sflag:s23], $0x4000  }
0xdf: {  	[sflag:s23] =	ssyncset.done $0x0  }
0xe0: {  	[sflag:s23] =	ssyncadd.s32 $0xFFFFC000  }
0xe1: {  	[spmem:s5] =	stream.linear.scatter [tilespmem:s22], [sflag:$0x7], $0x4000, $0x38;
	[tilespmem:$0x1C780] =	vst v63  }
0xe2: {  	_ =	swait.ge [sflag:s23], $0x4000  }
0xe3: {  	[sflag:s23] =	ssyncset.done $0x0  }
0xe4: {  	[sflag:s23] =	ssyncadd.s32 $0xFFFFC000  }
0xe5: {  	[spmem:s6] =	stream.linear.scatter [tilespmem:s22], [sflag:$0x7], $0x4000, $0x38;
	[tilespmem:$0x1C780] =	vst v63  }
0xe6: {  	_ =	swait.ge [sflag:s23], $0x4000  }
0xe7: {  	[sflag:s23] =	ssyncset.done $0x0  }
0xe8: {  	[sflag:s23] =	ssyncadd.s32 $0xFFFFC000  }
0xe9: {  	[spmem:s7] =	stream.linear.scatter [tilespmem:s22], [sflag:$0x7], $0x4000, $0x38;
	[tilespmem:$0x1C780] =	vst v63  }
0xea: {  	_ =	swait.ge [sflag:s23], $0x4000  }
0xeb: {  	[sflag:s23] =	ssyncset.done $0x0  }
0xec: {  	[sflag:s23] =	ssyncadd.s32 $0xFFFFC000  }
0xed: {  	[spmem:s8] =	stream.linear.scatter [tilespmem:s22], [sflag:$0x7], $0x4000, $0x38;
	[tilespmem:$0x1C780] =	vst v63  }
0xee: {  	_ =	swait.ge [sflag:s23], $0x4000  }
0xef: {  	[sflag:s23] =	ssyncset.done $0x0  }
0xf0: {  	s11 =	sadd.s32 $0x1, s11;
	[sflag:s23] =	ssyncadd.s32 $0xFFFFC000  }
0xf1: {  	p0 =	sne.s32 s11, s17;
	[bflag:$0x0] =	sbarrier.arrive $0xFFFF  }
.Ltmp3:
0xf2: {  	[bflag:$0x0] =	sbarrier.arrive $0xFFFF;
	(pc) =	sbr.rel @p0 .LBB2_1-.Ltmp3, $4  }
0xf3: {  	[hbm:s16], [sflag:s12] =	dma.local [spmem:s13], $0x2800  }
0xf4: {  	_ =	swait.ge [sflag:s23], $0x2800  }
0xf5: {  	[sflag:s23] =	ssyncset.done $0x0  }
0xf6: {  	[sflag:s23] =	ssyncadd.s32 $0xFFFFD800  }
0xf7: {  	_ =	sfence.sel $0x180000  }
0xf8: {  	[bflag:$0x0] =	sbarrier.arrive $0xFFFF  }
0xf9: {  	_ =	strace $0x90000047  }
0xfa: {  	s0 =	stileid.u32;
	[bflag:$0x2] =	sbarrier.arrive $0xFFFF  }
0xfb: {  	p0 =	sne.s32 s0, $0x0;
	s0 =	rddreg [dreg:$0x3]  }
0xfc: {  	s0 =	sadd.s32 @!p0 $0x100000, s0  }
0xfd: {  	[sflag:s0] =	ssyncadd.tile.s32 @!p0 $0x1;
	_ =	shalt  }
.Lfunc_end2:
_tile_overlayer_lowered:
.L_overlay_start_2:
0xfe: {  	(tag) =	ssettag $0x2  }
0xff: {  	s0 =	rddreg [dreg:$0x0];
	s2 =	stileid.u32  }
0x100: {  	s1 =	rddreg [dreg:$0x1];
	p0 =	sne.s32 s2, $0x0  }
0x101: {  	s3 =	rddreg [dreg:$0x2];
	[bflag:$0x3] =	sbarrier.arrive $0xFFFF;
	s2 =	simm.s32 @!p0 $0x1C07  }
0x102: {  	[timem:s3], [sflag:s2] =	dma.local @!p0 [hbm:s0], s1  }
0x103: {  	s0 =	simm.s32 @!p0 $0x7  }
0x104: {  	_ =	swait.ge @!p0 [sflag:s0], s1  }
0x105: {  	s1 =	ssub.s32 @!p0 $0x0, s1;
	[sflag:s0] =	ssyncset.done @!p0 $0x0  }
0x106: {  	[sflag:s0] =	ssyncadd.s32 @!p0 s1  }
0x107: {  	[bflag:$0x3] =	sbarrier.arrive $0xFFFF  }
0x108: {  	_ =	shalt  }

</sc_bundles>
